<compile_context>
chip_gen: v7x
topology: tpu7x:2x2x1
jax: 0.10.2.dev20260603
libtpu: 0.0.44.dev20260713+nightly
codegen_flags: <defaults>
</compile_context>

<pallas_src>
import functools

import jax
import jax.numpy as jnp
from jax import lax
from jax.experimental import pallas as pl
from jax.experimental.pallas import tpu as pltpu
from jax.experimental.pallas import tpu_sc as plsc

NUM_NEWS = 1000000
NUM_CATEGORIES = 1000
NEWS_DIM = 64
CATEGORY_DIM = 16
BATCH = 4096
SEQ_LEN = 50
TOTAL = BATCH * SEQ_LEN
JOINT_DIM = NEWS_DIM + CATEGORY_DIM
ROW_PAD = 128
SEQ_PAD = 64

NUM_CORES = 2
NUM_SUBCORES = 16
NW = NUM_CORES * NUM_SUBCORES
BATCH_W = BATCH // NW
LANES = 16
NBUF = 4
LEAD = 3


def _sc_body(nidx2_hbm, nidx_hbm, cidx_hbm, news_hbm, cat_hbm, out_hbm,
             nidx2_v, nidx_v, cidx_v, cat_v,
             pair0_v, pair1_v, pair2_v, pair3_v,
             stage0_v, stage1_v, stage2_v, stage3_v,
             gsem0, gsem1, gsem2, gsem3, wsem0, wsem1, wsem2, wsem3):
    cid = lax.axis_index("c")
    sid = lax.axis_index("s")
    wid = sid * NUM_CORES + cid
    base = wid * BATCH_W * SEQ_PAD
    pltpu.sync_copy(nidx2_hbm.at[pl.ds(base, BATCH_W * SEQ_PAD)], nidx2_v)
    pltpu.sync_copy(nidx_hbm.at[pl.ds(base, BATCH_W * SEQ_PAD)], nidx_v)
    pltpu.sync_copy(cidx_hbm.at[pl.ds(base, BATCH_W * SEQ_PAD)], cidx_v)
    pltpu.sync_copy(cat_hbm, cat_v)

    pairs = (pair0_v, pair1_v, pair2_v, pair3_v)
    stages = (stage0_v, stage1_v, stage2_v, stage3_v)
    gsems = (gsem0, gsem1, gsem2, gsem3)
    wsems = (wsem0, wsem1, wsem2, wsem3)

    def gather_copy(b, s):
        idx_n = nidx2_v.at[pl.ds(b * SEQ_PAD, SEQ_LEN)]
        return pltpu.make_async_copy(news_hbm.at[idx_n], pairs[s], gsems[s])

    def write_copy(b, s):
        return pltpu.make_async_copy(stages[s],
                                     out_hbm.at[pl.ds(wid * BATCH_W + b, 1)],
                                     wsems[s])

    def merge(b, s):
        pv = pairs[s]
        sv = stages[s]
        iota = lax.iota(jnp.int32, LANES)

        def row_body(r, carry):
            rsplat = jnp.full((LANES,), b * SEQ_PAD + r, jnp.int32)
            idv = plsc.load_gather(nidx_v, [rsplat])
            odd = (idv & 1) != 0
            cidv = plsc.load_gather(cidx_v, [rsplat])
            for k in range(NEWS_DIM // LANES):
                lo = pv[r, pl.ds(k * LANES, LANES)]
                hi = pv[r, pl.ds(NEWS_DIM + k * LANES, LANES)]
                sv[0, r, pl.ds(k * LANES, LANES)] = jnp.where(odd, hi, lo)
            cvals = plsc.load_gather(cat_v, [cidv * CATEGORY_DIM + iota])
            sv[0, r, pl.ds(NEWS_DIM, LANES)] = cvals
            return carry

        lax.fori_loop(0, SEQ_LEN, row_body, 0)

    for p in range(LEAD):
        gather_copy(p, p).start()

    def pair_body(g, carry):
        for s in range(NBUF):
            b = g * NBUF + s
            nb = b + LEAD
            @pl.when(nb < BATCH_W)
            def _():
                gather_copy(nb, (s + LEAD) % NBUF).start()
            gather_copy(b, s).wait()
            @pl.when(b >= NBUF)
            def _():
                write_copy(b - NBUF, s).wait()
            merge(b, s)
            write_copy(b, s).start()
        return carry

    lax.fori_loop(0, BATCH_W // NBUF, pair_body, 0)
    for p in range(NBUF):
        b = BATCH_W - NBUF + p
        write_copy(b, b % NBUF).wait()


@jax.jit
def _joint_embed(news_idx2, news_idx, cat_idx, news128, cat_flat):
    mesh = plsc.VectorSubcoreMesh(core_axis_name="c", subcore_axis_name="s")
    f = functools.partial(
        pl.kernel,
        mesh=mesh,
        out_type=jax.ShapeDtypeStruct((BATCH, SEQ_LEN, JOINT_DIM),
                                      jnp.float32),
        scratch_types=[
            pltpu.VMEM((BATCH_W * SEQ_PAD,), jnp.int32),
            pltpu.VMEM((BATCH_W * SEQ_PAD,), jnp.int32),
            pltpu.VMEM((BATCH_W * SEQ_PAD,), jnp.int32),
            pltpu.VMEM((NUM_CATEGORIES * CATEGORY_DIM,), jnp.float32),
            pltpu.VMEM((SEQ_LEN, ROW_PAD), jnp.float32),
            pltpu.VMEM((SEQ_LEN, ROW_PAD), jnp.float32),
            pltpu.VMEM((SEQ_LEN, ROW_PAD), jnp.float32),
            pltpu.VMEM((SEQ_LEN, ROW_PAD), jnp.float32),
            pltpu.VMEM((1, SEQ_LEN, JOINT_DIM), jnp.float32),
            pltpu.VMEM((1, SEQ_LEN, JOINT_DIM), jnp.float32),
            pltpu.VMEM((1, SEQ_LEN, JOINT_DIM), jnp.float32),
            pltpu.VMEM((1, SEQ_LEN, JOINT_DIM), jnp.float32),
            pltpu.SemaphoreType.DMA,
            pltpu.SemaphoreType.DMA,
            pltpu.SemaphoreType.DMA,
            pltpu.SemaphoreType.DMA,
            pltpu.SemaphoreType.DMA,
            pltpu.SemaphoreType.DMA,
            pltpu.SemaphoreType.DMA,
            pltpu.SemaphoreType.DMA,
        ],
        compiler_params=pltpu.CompilerParams(needs_layout_passes=False),
    )(_sc_body)
    return f(news_idx2, news_idx, cat_idx, news128, cat_flat)


def kernel(news_ids, category_ids, news_table, category_table):
    pad = ((0, 0), (0, SEQ_PAD - SEQ_LEN))
    news_idx = jnp.pad(news_ids, pad).reshape(BATCH * SEQ_PAD)
    news_idx2 = news_idx >> 1
    cat_idx = jnp.pad(category_ids, pad).reshape(BATCH * SEQ_PAD)
    news128 = news_table.reshape(NUM_NEWS // 2, ROW_PAD)
    cat_flat = category_table.reshape(NUM_CATEGORIES * CATEGORY_DIM)
    return _joint_embed(news_idx2, news_idx, cat_idx, news128, cat_flat)

# --- scband reference (transcript-rebuilt; emitter-appended) ---
"""Pipeline reference for scband-joint-embedding-24833500905593 (READ-ONLY COPY).

The authoritative reference and input builder live on the scoring server;
editing this copy changes nothing except your own understanding.
"""

import jax, jax.numpy as jnp
import numpy as np

NUM_NEWS = 1000000
NUM_CATEGORIES = 1000
NEWS_DIM = 64
CATEGORY_DIM = 16
BATCH = 4096
SEQ_LEN = 50


def setup_inputs(seed: int = 0) -> dict:
    key = jax.random.key(seed)
    k1, k2, k3, k4 = jax.random.split(key, 4)
    news_ids = jax.random.randint(k1, (BATCH, SEQ_LEN), 0, NUM_NEWS, dtype=jnp.int64 if jax.config.jax_enable_x64 else jnp.int32).astype(jnp.int32)
    category_ids = jax.random.randint(k2, (BATCH, SEQ_LEN), 0, NUM_CATEGORIES).astype(jnp.int32)
    news_table = jax.random.normal(k3, (NUM_NEWS, NEWS_DIM), dtype=jnp.float32)
    # padding_idx=0 -> row 0 is zeros (torch nn.Embedding padding_idx init)
    news_table = news_table.at[0].set(0.0)
    category_table = jax.random.normal(k4, (NUM_CATEGORIES, CATEGORY_DIM), dtype=jnp.float32)
    category_table = category_table.at[0].set(0.0)
    return {
        "news_ids": news_ids,
        "category_ids": category_ids,
        "news_table": news_table,
        "category_table": category_table,
    }


def reference(news_ids, category_ids, news_table, category_table):
    # NewsEmbedding lookup: (B, L) -> (B, L, news_dim)
    news_vecs = jnp.take(news_table, news_ids, axis=0)
    # CategoryEmbedding lookup: (B, L) -> (B, L, category_dim)
    category_vecs = jnp.take(category_table, category_ids, axis=0)
    # JointEmbedding: concat along last dim -> (B, L, news_dim + category_dim)
    joint_embeddings = jnp.concatenate([news_vecs, category_vecs], axis=-1)
    return joint_embeddings

if __name__ == "__main__":
    import jax
    _d = setup_inputs()
    print(jax.jit(kernel)(*tuple(_d.values())))

</pallas_src>

<mosaic_0001>
#map = affine_map<(d0, d1) -> (0)>
#map1 = affine_map<(d0, d1) -> (0, 0)>
#map2 = affine_map<(d0, d1) -> (0, 0, 0)>
module attributes {stable_mosaic.version = 14 : i64} {
  func.func @_sc_body(%arg0: i32, %arg1: i32, %arg2: memref<262144xi32, #tpu.memory_space<hbm>>, %arg3: memref<262144xi32, #tpu.memory_space<hbm>>, %arg4: memref<262144xi32, #tpu.memory_space<hbm>>, %arg5: memref<500000x128xf32, #tpu.memory_space<hbm>>, %arg6: memref<16000xf32, #tpu.memory_space<hbm>>, %arg7: memref<4096x50x80xf32, #tpu.memory_space<hbm>>, %arg8: memref<8192xi32, #tpu.memory_space<vmem>>, %arg9: memref<8192xi32, #tpu.memory_space<vmem>>, %arg10: memref<8192xi32, #tpu.memory_space<vmem>>, %arg11: memref<16000xf32, #tpu.memory_space<vmem>>, %arg12: memref<50x128xf32, #tpu.memory_space<vmem>>, %arg13: memref<50x128xf32, #tpu.memory_space<vmem>>, %arg14: memref<50x128xf32, #tpu.memory_space<vmem>>, %arg15: memref<50x128xf32, #tpu.memory_space<vmem>>, %arg16: memref<1x50x80xf32, #tpu.memory_space<vmem>>, %arg17: memref<1x50x80xf32, #tpu.memory_space<vmem>>, %arg18: memref<1x50x80xf32, #tpu.memory_space<vmem>>, %arg19: memref<1x50x80xf32, #tpu.memory_space<vmem>>, %arg20: memref<!tpu.dma_semaphore, #tpu.memory_space<semaphore_mem>>, %arg21: memref<!tpu.dma_semaphore, #tpu.memory_space<semaphore_mem>>, %arg22: memref<!tpu.dma_semaphore, #tpu.memory_space<semaphore_mem>>, %arg23: memref<!tpu.dma_semaphore, #tpu.memory_space<semaphore_mem>>, %arg24: memref<!tpu.dma_semaphore, #tpu.memory_space<semaphore_mem>>, %arg25: memref<!tpu.dma_semaphore, #tpu.memory_space<semaphore_mem>>, %arg26: memref<!tpu.dma_semaphore, #tpu.memory_space<semaphore_mem>>, %arg27: memref<!tpu.dma_semaphore, #tpu.memory_space<semaphore_mem>>) attributes {dimension_semantics = [#tpu.dimension_semantics<core_parallel>, #tpu.dimension_semantics<subcore_parallel>], iteration_bounds = array<i64: 2, 16>, scalar_prefetch = 0 : i64, scratch_operands = 20 : i64, tpu.core_type = #tpu.core_type<sc_vector_subcore>, window_params = [{transform_indices = #map}, {transform_indices = #map}, {transform_indices = #map}, {transform_indices = #map1}, {transform_indices = #map}, {transform_indices = #map2}]} {
    %mul3A = arith.constant 2 : i32
    %mul3A_0 = arith.muli %arg1, %mul3A : i32
    %add3A = arith.addi %mul3A_0, %arg0 : i32
    %mul3A_1 = arith.constant 128 : i32
    %mul3A_2 = arith.muli %add3A, %mul3A_1 : i32
    %mul3A_3 = arith.constant 64 : i32
    %mul3A_4 = arith.muli %mul3A_2, %mul3A_3 : i32
    "tpu.region"() ({
      %run_scoped3A = tpu.sem_alloc : memref<!tpu.dma_semaphore, #tpu.memory_space<semaphore_mem>>
      %dma_start3A_63 = tpu.memref_slice %arg2[%mul3A_4] : memref<262144xi32, #tpu.memory_space<hbm>> -> memref<8192xi32, #tpu.memory_space<hbm>>
      %dma_start3A_64 = tpu.memref_slice %arg2[%mul3A_4] : memref<262144xi32, #tpu.memory_space<hbm>> -> memref<8192xi32, #tpu.memory_space<hbm>>
      tpu.enqueue_dma source(%dma_start3A_64 : memref<8192xi32, #tpu.memory_space<hbm>>) target(%arg8 : memref<8192xi32, #tpu.memory_space<vmem>>) target_semaphore(%run_scoped3A : memref<!tpu.dma_semaphore, #tpu.memory_space<semaphore_mem>>)
      %dma_wait3A_65 = tpu.memref_slice %arg2[%mul3A_4] : memref<262144xi32, #tpu.memory_space<hbm>> -> memref<8192xi32, #tpu.memory_space<hbm>>
      %dma_wait3A_66 = tpu.memref_slice %arg2[%mul3A_4] : memref<262144xi32, #tpu.memory_space<hbm>> -> memref<8192xi32, #tpu.memory_space<hbm>>
      tpu.wait_dma2 semaphore(%run_scoped3A : memref<!tpu.dma_semaphore, #tpu.memory_space<semaphore_mem>>) src(%dma_wait3A_66 : memref<8192xi32, #tpu.memory_space<hbm>>) dst(%arg8 : memref<8192xi32, #tpu.memory_space<vmem>>)
      tpu.yield
    }) : () -> ()
    "tpu.region"() ({
      %run_scoped3A = tpu.sem_alloc : memref<!tpu.dma_semaphore, #tpu.memory_space<semaphore_mem>>
      %dma_start3A_63 = tpu.memref_slice %arg3[%mul3A_4] : memref<262144xi32, #tpu.memory_space<hbm>> -> memref<8192xi32, #tpu.memory_space<hbm>>
      %dma_start3A_64 = tpu.memref_slice %arg3[%mul3A_4] : memref<262144xi32, #tpu.memory_space<hbm>> -> memref<8192xi32, #tpu.memory_space<hbm>>
      tpu.enqueue_dma source(%dma_start3A_64 : memref<8192xi32, #tpu.memory_space<hbm>>) target(%arg9 : memref<8192xi32, #tpu.memory_space<vmem>>) target_semaphore(%run_scoped3A : memref<!tpu.dma_semaphore, #tpu.memory_space<semaphore_mem>>)
      %dma_wait3A_65 = tpu.memref_slice %arg3[%mul3A_4] : memref<262144xi32, #tpu.memory_space<hbm>> -> memref<8192xi32, #tpu.memory_space<hbm>>
      %dma_wait3A_66 = tpu.memref_slice %arg3[%mul3A_4] : memref<262144xi32, #tpu.memory_space<hbm>> -> memref<8192xi32, #tpu.memory_space<hbm>>
      tpu.wait_dma2 semaphore(%run_scoped3A : memref<!tpu.dma_semaphore, #tpu.memory_space<semaphore_mem>>) src(%dma_wait3A_66 : memref<8192xi32, #tpu.memory_space<hbm>>) dst(%arg9 : memref<8192xi32, #tpu.memory_space<vmem>>)
      tpu.yield
    }) : () -> ()
    "tpu.region"() ({
      %run_scoped3A = tpu.sem_alloc : memref<!tpu.dma_semaphore, #tpu.memory_space<semaphore_mem>>
      %dma_start3A_63 = tpu.memref_slice %arg4[%mul3A_4] : memref<262144xi32, #tpu.memory_space<hbm>> -> memref<8192xi32, #tpu.memory_space<hbm>>
      %dma_start3A_64 = tpu.memref_slice %arg4[%mul3A_4] : memref<262144xi32, #tpu.memory_space<hbm>> -> memref<8192xi32, #tpu.memory_space<hbm>>
      tpu.enqueue_dma source(%dma_start3A_64 : memref<8192xi32, #tpu.memory_space<hbm>>) target(%arg10 : memref<8192xi32, #tpu.memory_space<vmem>>) target_semaphore(%run_scoped3A : memref<!tpu.dma_semaphore, #tpu.memory_space<semaphore_mem>>)
      %dma_wait3A_65 = tpu.memref_slice %arg4[%mul3A_4] : memref<262144xi32, #tpu.memory_space<hbm>> -> memref<8192xi32, #tpu.memory_space<hbm>>
      %dma_wait3A_66 = tpu.memref_slice %arg4[%mul3A_4] : memref<262144xi32, #tpu.memory_space<hbm>> -> memref<8192xi32, #tpu.memory_space<hbm>>
      tpu.wait_dma2 semaphore(%run_scoped3A : memref<!tpu.dma_semaphore, #tpu.memory_space<semaphore_mem>>) src(%dma_wait3A_66 : memref<8192xi32, #tpu.memory_space<hbm>>) dst(%arg10 : memref<8192xi32, #tpu.memory_space<vmem>>)
      tpu.yield
    }) : () -> ()
    "tpu.region"() ({
      %run_scoped3A = tpu.sem_alloc : memref<!tpu.dma_semaphore, #tpu.memory_space<semaphore_mem>>
      tpu.enqueue_dma source(%arg6 : memref<16000xf32, #tpu.memory_space<hbm>>) target(%arg11 : memref<16000xf32, #tpu.memory_space<vmem>>) target_semaphore(%run_scoped3A : memref<!tpu.dma_semaphore, #tpu.memory_space<semaphore_mem>>)
      tpu.wait_dma2 semaphore(%run_scoped3A : memref<!tpu.dma_semaphore, #tpu.memory_space<semaphore_mem>>) src(%arg6 : memref<16000xf32, #tpu.memory_space<hbm>>) dst(%arg11 : memref<16000xf32, #tpu.memory_space<vmem>>)
      tpu.yield
    }) : () -> ()
    %dma_start3A = arith.constant 0 : i32
    %dma_start3A_5 = tpu.memref_slice %arg8[%dma_start3A] : memref<8192xi32, #tpu.memory_space<vmem>> -> memref<50xi32, #tpu.memory_space<vmem>>
    %dma_start3A_6 = arith.constant 0 : i32
    %dma_start3A_7 = arith.constant 0 : i32
    %dma_start3A_8 = tpu.memref_slice %arg5[%dma_start3A_6, %dma_start3A_7] : memref<500000x128xf32, #tpu.memory_space<hbm>> -> memref<500000x128xf32, #tpu.memory_space<hbm>>
    tpu.enqueue_indirect_dma source(%dma_start3A_8 : memref<500000x128xf32, #tpu.memory_space<hbm>>) target(%arg12 : memref<50x128xf32, #tpu.memory_space<vmem>>) offsets(%dma_start3A_5 : memref<50xi32, #tpu.memory_space<vmem>>) semaphore(%arg20 : memref<!tpu.dma_semaphore, #tpu.memory_space<semaphore_mem>>)
    %dma_start3A_9 = arith.constant 64 : i32
    %dma_start3A_10 = tpu.memref_slice %arg8[%dma_start3A_9] : memref<8192xi32, #tpu.memory_space<vmem>> -> memref<50xi32, #tpu.memory_space<vmem>>
    %dma_start3A_11 = arith.constant 0 : i32
    %dma_start3A_12 = arith.constant 0 : i32
    %dma_start3A_13 = tpu.memref_slice %arg5[%dma_start3A_11, %dma_start3A_12] : memref<500000x128xf32, #tpu.memory_space<hbm>> -> memref<500000x128xf32, #tpu.memory_space<hbm>>
    tpu.enqueue_indirect_dma source(%dma_start3A_13 : memref<500000x128xf32, #tpu.memory_space<hbm>>) target(%arg13 : memref<50x128xf32, #tpu.memory_space<vmem>>) offsets(%dma_start3A_10 : memref<50xi32, #tpu.memory_space<vmem>>) semaphore(%arg21 : memref<!tpu.dma_semaphore, #tpu.memory_space<semaphore_mem>>)
    %dma_start3A_14 = arith.constant 128 : i32
    %dma_start3A_15 = tpu.memref_slice %arg8[%dma_start3A_14] : memref<8192xi32, #tpu.memory_space<vmem>> -> memref<50xi32, #tpu.memory_space<vmem>>
    %dma_start3A_16 = arith.constant 0 : i32
    %dma_start3A_17 = arith.constant 0 : i32
    %dma_start3A_18 = tpu.memref_slice %arg5[%dma_start3A_16, %dma_start3A_17] : memref<500000x128xf32, #tpu.memory_space<hbm>> -> memref<500000x128xf32, #tpu.memory_space<hbm>>
    tpu.enqueue_indirect_dma source(%dma_start3A_18 : memref<500000x128xf32, #tpu.memory_space<hbm>>) target(%arg14 : memref<50x128xf32, #tpu.memory_space<vmem>>) offsets(%dma_start3A_15 : memref<50xi32, #tpu.memory_space<vmem>>) semaphore(%arg22 : memref<!tpu.dma_semaphore, #tpu.memory_space<semaphore_mem>>)
    %scan3A = arith.constant 0 : i32
    %scan3A_19 = arith.constant 0 : i32
    %scan3A_20 = arith.constant 32 : i32
    %scan3A_21 = arith.addi %scan3A_19, %scan3A_20 : i32
    %scan3A_22 = arith.constant 1 : i32
    scf.for %scan3A_63 = %scan3A_19 to %scan3A_21 step %scan3A_22  : i32 {
      %mul3A_64 = arith.constant 4 : i32
      %mul3A_65 = arith.muli %scan3A_63, %mul3A_64 : i32
      %add3A_66 = arith.constant 0 : i32
      %add3A_67 = arith.addi %mul3A_65, %add3A_66 : i32
      %add3A_68 = arith.constant 3 : i32
      %add3A_69 = arith.addi %add3A_67, %add3A_68 : i32
      %lt3A = arith.constant 128 : i32
      %lt3A_70 = arith.cmpi slt, %add3A_69, %lt3A : i32
      %convert_element_type3A = arith.extui %lt3A_70 : i1 to i32
      %cond3A = arith.constant 0 : i32
      %cond3A_71 = arith.cmpi ne, %convert_element_type3A, %cond3A : i32
      scf.if %cond3A_71 {
        %mul3A_211 = arith.constant 64 : i32
        %mul3A_212 = arith.muli %add3A_69, %mul3A_211 : i32
        %dma_start3A_213 = tpu.memref_slice %arg8[%mul3A_212] : memref<8192xi32, #tpu.memory_space<vmem>> -> memref<50xi32, #tpu.memory_space<vmem>>
        %dma_start3A_214 = arith.constant 0 : i32
        %dma_start3A_215 = arith.constant 0 : i32
        %dma_start3A_216 = tpu.memref_slice %arg5[%dma_start3A_214, %dma_start3A_215] : memref<500000x128xf32, #tpu.memory_space<hbm>> -> memref<500000x128xf32, #tpu.memory_space<hbm>>
        tpu.enqueue_indirect_dma source(%dma_start3A_216 : memref<500000x128xf32, #tpu.memory_space<hbm>>) target(%arg15 : memref<50x128xf32, #tpu.memory_space<vmem>>) offsets(%dma_start3A_213 : memref<50xi32, #tpu.memory_space<vmem>>) semaphore(%arg23 : memref<!tpu.dma_semaphore, #tpu.memory_space<semaphore_mem>>)
      } else {
      }
      %mul3A_72 = arith.constant 64 : i32
      %mul3A_73 = arith.muli %add3A_67, %mul3A_72 : i32
      %dma_wait3A_74 = tpu.memref_slice %arg8[%mul3A_73] : memref<8192xi32, #tpu.memory_space<vmem>> -> memref<50xi32, #tpu.memory_space<vmem>>
      %dma_wait3A_75 = arith.constant 0 : i32
      %dma_wait3A_76 = arith.constant 0 : i32
      %dma_wait3A_77 = tpu.memref_slice %arg5[%dma_wait3A_75, %dma_wait3A_76] : memref<500000x128xf32, #tpu.memory_space<hbm>> -> memref<500000x128xf32, #tpu.memory_space<hbm>>
      tpu.wait_indirect_dma semaphore(%arg20 : memref<!tpu.dma_semaphore, #tpu.memory_space<semaphore_mem>>) src(%dma_wait3A_77 : memref<500000x128xf32, #tpu.memory_space<hbm>>) dst(%arg12 : memref<50x128xf32, #tpu.memory_space<vmem>>)
      %ge3A = arith.constant 4 : i32
      %ge3A_78 = arith.cmpi sge, %add3A_67, %ge3A : i32
      %convert_element_type3A_79 = arith.extui %ge3A_78 : i1 to i32
      %cond3A_80 = arith.constant 0 : i32
      %cond3A_81 = arith.cmpi ne, %convert_element_type3A_79, %cond3A_80 : i32
      scf.if %cond3A_81 {
        %sub3A = arith.constant 4 : i32
        %sub3A_211 = arith.subi %add3A_67, %sub3A : i32
        %mul3A_212 = arith.constant 128 : i32
        %mul3A_213 = arith.muli %add3A, %mul3A_212 : i32
        %add3A_214 = arith.addi %mul3A_213, %sub3A_211 : i32
        %dma_wait3A_215 = arith.constant 0 : i32
        %dma_wait3A_216 = arith.constant 0 : i32
        %dma_wait3A_217 = tpu.memref_slice %arg7[%add3A_214, %dma_wait3A_215, %dma_wait3A_216] : memref<4096x50x80xf32, #tpu.memory_space<hbm>> -> memref<1x50x80xf32, #tpu.memory_space<hbm>>
        %dma_wait3A_218 = arith.constant 0 : i32
        %dma_wait3A_219 = arith.constant 0 : i32
        %dma_wait3A_220 = tpu.memref_slice %arg7[%add3A_214, %dma_wait3A_218, %dma_wait3A_219] : memref<4096x50x80xf32, #tpu.memory_space<hbm>> -> memref<1x50x80xf32, #tpu.memory_space<hbm>>
        tpu.wait_dma2 semaphore(%arg24 : memref<!tpu.dma_semaphore, #tpu.memory_space<semaphore_mem>>) src(%arg16 : memref<1x50x80xf32, #tpu.memory_space<vmem>>) dst(%dma_wait3A_220 : memref<1x50x80xf32, #tpu.memory_space<hbm>>)
      } else {
      }
      %iota3A = tpu.iota {dimensions = array<i32: 0>} : vector<16xi32>
      %scan3A_82 = arith.constant 0 : i32
      %scan3A_83 = arith.constant 0 : i32
      %scan3A_84 = arith.constant 50 : i32
      %scan3A_85 = arith.addi %scan3A_83, %scan3A_84 : i32
      %scan3A_86 = arith.constant 1 : i32
      scf.for %scan3A_211 = %scan3A_83 to %scan3A_85 step %scan3A_86  : i32 {
        %mul3A_212 = arith.constant 64 : i32
        %mul3A_213 = arith.muli %add3A_67, %mul3A_212 : i32
        %add3A_214 = arith.addi %mul3A_213, %scan3A_211 : i32
        %broadcast_in_dim3A = vector.broadcast %add3A_214 : i32 to vector<16xi32>
        %gather3A = tpu.vector_load_idx %arg9[%broadcast_in_dim3A] : memref<8192xi32, #tpu.memory_space<vmem>>[vector<16xi32>], vector<16xi32>,
        %and3A = arith.constant 1 : i32
        %and3A_215 = vector.broadcast %and3A : i32 to vector<16xi32>
        %and3A_216 = arith.andi %gather3A, %and3A_215 : vector<16xi32>
        %ne3A = arith.constant 0 : i32
        %ne3A_217 = vector.broadcast %ne3A : i32 to vector<16xi32>
        %ne3A_218 = arith.cmpi ne, %and3A_216, %ne3A_217 : vector<16xi32>
        %gather3A_219 = tpu.vector_load_idx %arg10[%broadcast_in_dim3A] : memref<8192xi32, #tpu.memory_space<vmem>>[vector<16xi32>], vector<16xi32>,
        %get3A = arith.index_cast %scan3A_211 : i32 to index
        %get3A_220 = arith.constant 0 : index
        %get3A_221 = tpu.vector_load %arg12[%get3A, %get3A_220] {strides = array<i32>} : memref<50x128xf32, #tpu.memory_space<vmem>>, vector<16xf32>,
        %get3A_222 = arith.index_cast %scan3A_211 : i32 to index
        %get3A_223 = arith.constant 64 : index
        %get3A_224 = tpu.vector_load %arg12[%get3A_222, %get3A_223] {strides = array<i32>} : memref<50x128xf32, #tpu.memory_space<vmem>>, vector<16xf32>,
        %select_n3A = arith.select %ne3A_218, %get3A_224, %get3A_221 : vector<16xi1>, vector<16xf32>
        %swap3A = arith.constant 0 : i32
        %swap3A_225 = arith.index_cast %swap3A : i32 to index
        %swap3A_226 = arith.index_cast %scan3A_211 : i32 to index
        %swap3A_227 = arith.constant 0 : index
        %swap3A_228 = tpu.vector_load %arg16[%swap3A_225, %swap3A_226, %swap3A_227] {strides = array<i32>} : memref<1x50x80xf32, #tpu.memory_space<vmem>>, vector<16xf32>,
        tpu.vector_store %arg16[%swap3A_225, %swap3A_226, %swap3A_227], %select_n3A {strides = array<i32>} : memref<1x50x80xf32, #tpu.memory_space<vmem>>, vector<16xf32>,
        %get3A_229 = arith.index_cast %scan3A_211 : i32 to index
        %get3A_230 = arith.constant 16 : index
        %get3A_231 = tpu.vector_load %arg12[%get3A_229, %get3A_230] {strides = array<i32>} : memref<50x128xf32, #tpu.memory_space<vmem>>, vector<16xf32>,
        %get3A_232 = arith.index_cast %scan3A_211 : i32 to index
        %get3A_233 = arith.constant 80 : index
        %get3A_234 = tpu.vector_load %arg12[%get3A_232, %get3A_233] {strides = array<i32>} : memref<50x128xf32, #tpu.memory_space<vmem>>, vector<16xf32>,
        %select_n3A_235 = arith.select %ne3A_218, %get3A_234, %get3A_231 : vector<16xi1>, vector<16xf32>
        %swap3A_236 = arith.constant 0 : i32
        %swap3A_237 = arith.index_cast %swap3A_236 : i32 to index
        %swap3A_238 = arith.index_cast %scan3A_211 : i32 to index
        %swap3A_239 = arith.constant 16 : index
        %swap3A_240 = tpu.vector_load %arg16[%swap3A_237, %swap3A_238, %swap3A_239] {strides = array<i32>} : memref<1x50x80xf32, #tpu.memory_space<vmem>>, vector<16xf32>,
        tpu.vector_store %arg16[%swap3A_237, %swap3A_238, %swap3A_239], %select_n3A_235 {strides = array<i32>} : memref<1x50x80xf32, #tpu.memory_space<vmem>>, vector<16xf32>,
        %get3A_241 = arith.index_cast %scan3A_211 : i32 to index
        %get3A_242 = arith.constant 32 : index
        %get3A_243 = tpu.vector_load %arg12[%get3A_241, %get3A_242] {strides = array<i32>} : memref<50x128xf32, #tpu.memory_space<vmem>>, vector<16xf32>,
        %get3A_244 = arith.index_cast %scan3A_211 : i32 to index
        %get3A_245 = arith.constant 96 : index
        %get3A_246 = tpu.vector_load %arg12[%get3A_244, %get3A_245] {strides = array<i32>} : memref<50x128xf32, #tpu.memory_space<vmem>>, vector<16xf32>,
        %select_n3A_247 = arith.select %ne3A_218, %get3A_246, %get3A_243 : vector<16xi1>, vector<16xf32>
        %swap3A_248 = arith.constant 0 : i32
        %swap3A_249 = arith.index_cast %swap3A_248 : i32 to index
        %swap3A_250 = arith.index_cast %scan3A_211 : i32 to index
        %swap3A_251 = arith.constant 32 : index
        %swap3A_252 = tpu.vector_load %arg16[%swap3A_249, %swap3A_250, %swap3A_251] {strides = array<i32>} : memref<1x50x80xf32, #tpu.memory_space<vmem>>, vector<16xf32>,
        tpu.vector_store %arg16[%swap3A_249, %swap3A_250, %swap3A_251], %select_n3A_247 {strides = array<i32>} : memref<1x50x80xf32, #tpu.memory_space<vmem>>, vector<16xf32>,
        %get3A_253 = arith.index_cast %scan3A_211 : i32 to index
        %get3A_254 = arith.constant 48 : index
        %get3A_255 = tpu.vector_load %arg12[%get3A_253, %get3A_254] {strides = array<i32>} : memref<50x128xf32, #tpu.memory_space<vmem>>, vector<16xf32>,
        %get3A_256 = arith.index_cast %scan3A_211 : i32 to index
        %get3A_257 = arith.constant 112 : index
        %get3A_258 = tpu.vector_load %arg12[%get3A_256, %get3A_257] {strides = array<i32>} : memref<50x128xf32, #tpu.memory_space<vmem>>, vector<16xf32>,
        %select_n3A_259 = arith.select %ne3A_218, %get3A_258, %get3A_255 : vector<16xi1>, vector<16xf32>
        %swap3A_260 = arith.constant 0 : i32
        %swap3A_261 = arith.index_cast %swap3A_260 : i32 to index
        %swap3A_262 = arith.index_cast %scan3A_211 : i32 to index
        %swap3A_263 = arith.constant 48 : index
        %swap3A_264 = tpu.vector_load %arg16[%swap3A_261, %swap3A_262, %swap3A_263] {strides = array<i32>} : memref<1x50x80xf32, #tpu.memory_space<vmem>>, vector<16xf32>,
        tpu.vector_store %arg16[%swap3A_261, %swap3A_262, %swap3A_263], %select_n3A_259 {strides = array<i32>} : memref<1x50x80xf32, #tpu.memory_space<vmem>>, vector<16xf32>,
        %mul3A_265 = arith.constant 16 : i32
        %mul3A_266 = vector.broadcast %mul3A_265 : i32 to vector<16xi32>
        %mul3A_267 = arith.muli %gather3A_219, %mul3A_266 : vector<16xi32>
        %add3A_268 = arith.addi %mul3A_267, %iota3A : vector<16xi32>
        %gather3A_269 = tpu.vector_load_idx %arg11[%add3A_268] : memref<16000xf32, #tpu.memory_space<vmem>>[vector<16xi32>], vector<16xf32>,
        %swap3A_270 = arith.constant 0 : i32
        %swap3A_271 = arith.index_cast %swap3A_270 : i32 to index
        %swap3A_272 = arith.index_cast %scan3A_211 : i32 to index
        %swap3A_273 = arith.constant 64 : index
        %swap3A_274 = tpu.vector_load %arg16[%swap3A_271, %swap3A_272, %swap3A_273] {strides = array<i32>} : memref<1x50x80xf32, #tpu.memory_space<vmem>>, vector<16xf32>,
        tpu.vector_store %arg16[%swap3A_271, %swap3A_272, %swap3A_273], %gather3A_269 {strides = array<i32>} : memref<1x50x80xf32, #tpu.memory_space<vmem>>, vector<16xf32>,
      }
      %scan3A_87 = arith.constant 50 : i32
      %mul3A_88 = arith.constant 128 : i32
      %mul3A_89 = arith.muli %add3A, %mul3A_88 : i32
      %add3A_90 = arith.addi %mul3A_89, %add3A_67 : i32
      %dma_start3A_91 = arith.constant 0 : i32
      %dma_start3A_92 = arith.constant 0 : i32
      %dma_start3A_93 = tpu.memref_slice %arg7[%add3A_90, %dma_start3A_91, %dma_start3A_92] : memref<4096x50x80xf32, #tpu.memory_space<hbm>> -> memref<1x50x80xf32, #tpu.memory_space<hbm>>
      %dma_start3A_94 = arith.constant 0 : i32
      %dma_start3A_95 = arith.constant 0 : i32
      %dma_start3A_96 = tpu.memref_slice %arg7[%add3A_90, %dma_start3A_94, %dma_start3A_95] : memref<4096x50x80xf32, #tpu.memory_space<hbm>> -> memref<1x50x80xf32, #tpu.memory_space<hbm>>
      tpu.enqueue_dma source(%arg16 : memref<1x50x80xf32, #tpu.memory_space<vmem>>) target(%dma_start3A_96 : memref<1x50x80xf32, #tpu.memory_space<hbm>>) target_semaphore(%arg24 : memref<!tpu.dma_semaphore, #tpu.memory_space<semaphore_mem>>)
      %mul3A_97 = arith.constant 4 : i32
      %mul3A_98 = arith.muli %scan3A_63, %mul3A_97 : i32
      %add3A_99 = arith.constant 1 : i32
      %add3A_100 = arith.addi %mul3A_98, %add3A_99 : i32
      %add3A_101 = arith.constant 3 : i32
      %add3A_102 = arith.addi %add3A_100, %add3A_101 : i32
      %lt3A_103 = arith.constant 128 : i32
      %lt3A_104 = arith.cmpi slt, %add3A_102, %lt3A_103 : i32
      %convert_element_type3A_105 = arith.extui %lt3A_104 : i1 to i32
      %cond3A_106 = arith.constant 0 : i32
      %cond3A_107 = arith.cmpi ne, %convert_element_type3A_105, %cond3A_106 : i32
      scf.if %cond3A_107 {
        %mul3A_211 = arith.constant 64 : i32
        %mul3A_212 = arith.muli %add3A_102, %mul3A_211 : i32
        %dma_start3A_213 = tpu.memref_slice %arg8[%mul3A_212] : memref<8192xi32, #tpu.memory_space<vmem>> -> memref<50xi32, #tpu.memory_space<vmem>>
        %dma_start3A_214 = arith.constant 0 : i32
        %dma_start3A_215 = arith.constant 0 : i32
        %dma_start3A_216 = tpu.memref_slice %arg5[%dma_start3A_214, %dma_start3A_215] : memref<500000x128xf32, #tpu.memory_space<hbm>> -> memref<500000x128xf32, #tpu.memory_space<hbm>>
        tpu.enqueue_indirect_dma source(%dma_start3A_216 : memref<500000x128xf32, #tpu.memory_space<hbm>>) target(%arg12 : memref<50x128xf32, #tpu.memory_space<vmem>>) offsets(%dma_start3A_213 : memref<50xi32, #tpu.memory_space<vmem>>) semaphore(%arg20 : memref<!tpu.dma_semaphore, #tpu.memory_space<semaphore_mem>>)
      } else {
      }
      %mul3A_108 = arith.constant 64 : i32
      %mul3A_109 = arith.muli %add3A_100, %mul3A_108 : i32
      %dma_wait3A_110 = tpu.memref_slice %arg8[%mul3A_109] : memref<8192xi32, #tpu.memory_space<vmem>> -> memref<50xi32, #tpu.memory_space<vmem>>
      %dma_wait3A_111 = arith.constant 0 : i32
      %dma_wait3A_112 = arith.constant 0 : i32
      %dma_wait3A_113 = tpu.memref_slice %arg5[%dma_wait3A_111, %dma_wait3A_112] : memref<500000x128xf32, #tpu.memory_space<hbm>> -> memref<500000x128xf32, #tpu.memory_space<hbm>>
      tpu.wait_indirect_dma semaphore(%arg21 : memref<!tpu.dma_semaphore, #tpu.memory_space<semaphore_mem>>) src(%dma_wait3A_113 : memref<500000x128xf32, #tpu.memory_space<hbm>>) dst(%arg13 : memref<50x128xf32, #tpu.memory_space<vmem>>)
      %ge3A_114 = arith.constant 4 : i32
      %ge3A_115 = arith.cmpi sge, %add3A_100, %ge3A_114 : i32
      %convert_element_type3A_116 = arith.extui %ge3A_115 : i1 to i32
      %cond3A_117 = arith.constant 0 : i32
      %cond3A_118 = arith.cmpi ne, %convert_element_type3A_116, %cond3A_117 : i32
      scf.if %cond3A_118 {
        %sub3A = arith.constant 4 : i32
        %sub3A_211 = arith.subi %add3A_100, %sub3A : i32
        %mul3A_212 = arith.constant 128 : i32
        %mul3A_213 = arith.muli %add3A, %mul3A_212 : i32
        %add3A_214 = arith.addi %mul3A_213, %sub3A_211 : i32
        %dma_wait3A_215 = arith.constant 0 : i32
        %dma_wait3A_216 = arith.constant 0 : i32
        %dma_wait3A_217 = tpu.memref_slice %arg7[%add3A_214, %dma_wait3A_215, %dma_wait3A_216] : memref<4096x50x80xf32, #tpu.memory_space<hbm>> -> memref<1x50x80xf32, #tpu.memory_space<hbm>>
        %dma_wait3A_218 = arith.constant 0 : i32
        %dma_wait3A_219 = arith.constant 0 : i32
        %dma_wait3A_220 = tpu.memref_slice %arg7[%add3A_214, %dma_wait3A_218, %dma_wait3A_219] : memref<4096x50x80xf32, #tpu.memory_space<hbm>> -> memref<1x50x80xf32, #tpu.memory_space<hbm>>
        tpu.wait_dma2 semaphore(%arg25 : memref<!tpu.dma_semaphore, #tpu.memory_space<semaphore_mem>>) src(%arg17 : memref<1x50x80xf32, #tpu.memory_space<vmem>>) dst(%dma_wait3A_220 : memref<1x50x80xf32, #tpu.memory_space<hbm>>)
      } else {
      }
      %iota3A_119 = tpu.iota {dimensions = array<i32: 0>} : vector<16xi32>
      %scan3A_120 = arith.constant 0 : i32
      %scan3A_121 = arith.constant 0 : i32
      %scan3A_122 = arith.constant 50 : i32
      %scan3A_123 = arith.addi %scan3A_121, %scan3A_122 : i32
      %scan3A_124 = arith.constant 1 : i32
      scf.for %scan3A_211 = %scan3A_121 to %scan3A_123 step %scan3A_124  : i32 {
        %mul3A_212 = arith.constant 64 : i32
        %mul3A_213 = arith.muli %add3A_100, %mul3A_212 : i32
        %add3A_214 = arith.addi %mul3A_213, %scan3A_211 : i32
        %broadcast_in_dim3A = vector.broadcast %add3A_214 : i32 to vector<16xi32>
        %gather3A = tpu.vector_load_idx %arg9[%broadcast_in_dim3A] : memref<8192xi32, #tpu.memory_space<vmem>>[vector<16xi32>], vector<16xi32>,
        %and3A = arith.constant 1 : i32
        %and3A_215 = vector.broadcast %and3A : i32 to vector<16xi32>
        %and3A_216 = arith.andi %gather3A, %and3A_215 : vector<16xi32>
        %ne3A = arith.constant 0 : i32
        %ne3A_217 = vector.broadcast %ne3A : i32 to vector<16xi32>
        %ne3A_218 = arith.cmpi ne, %and3A_216, %ne3A_217 : vector<16xi32>
        %gather3A_219 = tpu.vector_load_idx %arg10[%broadcast_in_dim3A] : memref<8192xi32, #tpu.memory_space<vmem>>[vector<16xi32>], vector<16xi32>,
        %get3A = arith.index_cast %scan3A_211 : i32 to index
        %get3A_220 = arith.constant 0 : index
        %get3A_221 = tpu.vector_load %arg13[%get3A, %get3A_220] {strides = array<i32>} : memref<50x128xf32, #tpu.memory_space<vmem>>, vector<16xf32>,
        %get3A_222 = arith.index_cast %scan3A_211 : i32 to index
        %get3A_223 = arith.constant 64 : index
        %get3A_224 = tpu.vector_load %arg13[%get3A_222, %get3A_223] {strides = array<i32>} : memref<50x128xf32, #tpu.memory_space<vmem>>, vector<16xf32>,
        %select_n3A = arith.select %ne3A_218, %get3A_224, %get3A_221 : vector<16xi1>, vector<16xf32>
        %swap3A = arith.constant 0 : i32
        %swap3A_225 = arith.index_cast %swap3A : i32 to index
        %swap3A_226 = arith.index_cast %scan3A_211 : i32 to index
        %swap3A_227 = arith.constant 0 : index
        %swap3A_228 = tpu.vector_load %arg17[%swap3A_225, %swap3A_226, %swap3A_227] {strides = array<i32>} : memref<1x50x80xf32, #tpu.memory_space<vmem>>, vector<16xf32>,
        tpu.vector_store %arg17[%swap3A_225, %swap3A_226, %swap3A_227], %select_n3A {strides = array<i32>} : memref<1x50x80xf32, #tpu.memory_space<vmem>>, vector<16xf32>,
        %get3A_229 = arith.index_cast %scan3A_211 : i32 to index
        %get3A_230 = arith.constant 16 : index
        %get3A_231 = tpu.vector_load %arg13[%get3A_229, %get3A_230] {strides = array<i32>} : memref<50x128xf32, #tpu.memory_space<vmem>>, vector<16xf32>,
        %get3A_232 = arith.index_cast %scan3A_211 : i32 to index
        %get3A_233 = arith.constant 80 : index
        %get3A_234 = tpu.vector_load %arg13[%get3A_232, %get3A_233] {strides = array<i32>} : memref<50x128xf32, #tpu.memory_space<vmem>>, vector<16xf32>,
        %select_n3A_235 = arith.select %ne3A_218, %get3A_234, %get3A_231 : vector<16xi1>, vector<16xf32>
        %swap3A_236 = arith.constant 0 : i32
        %swap3A_237 = arith.index_cast %swap3A_236 : i32 to index
        %swap3A_238 = arith.index_cast %scan3A_211 : i32 to index
        %swap3A_239 = arith.constant 16 : index
        %swap3A_240 = tpu.vector_load %arg17[%swap3A_237, %swap3A_238, %swap3A_239] {strides = array<i32>} : memref<1x50x80xf32, #tpu.memory_space<vmem>>, vector<16xf32>,
        tpu.vector_store %arg17[%swap3A_237, %swap3A_238, %swap3A_239], %select_n3A_235 {strides = array<i32>} : memref<1x50x80xf32, #tpu.memory_space<vmem>>, vector<16xf32>,
        %get3A_241 = arith.index_cast %scan3A_211 : i32 to index
        %get3A_242 = arith.constant 32 : index
        %get3A_243 = tpu.vector_load %arg13[%get3A_241, %get3A_242] {strides = array<i32>} : memref<50x128xf32, #tpu.memory_space<vmem>>, vector<16xf32>,
        %get3A_244 = arith.index_cast %scan3A_211 : i32 to index
        %get3A_245 = arith.constant 96 : index
        %get3A_246 = tpu.vector_load %arg13[%get3A_244, %get3A_245] {strides = array<i32>} : memref<50x128xf32, #tpu.memory_space<vmem>>, vector<16xf32>,
        %select_n3A_247 = arith.select %ne3A_218, %get3A_246, %get3A_243 : vector<16xi1>, vector<16xf32>
        %swap3A_248 = arith.constant 0 : i32
        %swap3A_249 = arith.index_cast %swap3A_248 : i32 to index
        %swap3A_250 = arith.index_cast %scan3A_211 : i32 to index
        %swap3A_251 = arith.constant 32 : index
        %swap3A_252 = tpu.vector_load %arg17[%swap3A_249, %swap3A_250, %swap3A_251] {strides = array<i32>} : memref<1x50x80xf32, #tpu.memory_space<vmem>>, vector<16xf32>,
        tpu.vector_store %arg17[%swap3A_249, %swap3A_250, %swap3A_251], %select_n3A_247 {strides = array<i32>} : memref<1x50x80xf32, #tpu.memory_space<vmem>>, vector<16xf32>,
        %get3A_253 = arith.index_cast %scan3A_211 : i32 to index
        %get3A_254 = arith.constant 48 : index
        %get3A_255 = tpu.vector_load %arg13[%get3A_253, %get3A_254] {strides = array<i32>} : memref<50x128xf32, #tpu.memory_space<vmem>>, vector<16xf32>,
        %get3A_256 = arith.index_cast %scan3A_211 : i32 to index
        %get3A_257 = arith.constant 112 : index
        %get3A_258 = tpu.vector_load %arg13[%get3A_256, %get3A_257] {strides = array<i32>} : memref<50x128xf32, #tpu.memory_space<vmem>>, vector<16xf32>,
        %select_n3A_259 = arith.select %ne3A_218, %get3A_258, %get3A_255 : vector<16xi1>, vector<16xf32>
        %swap3A_260 = arith.constant 0 : i32
        %swap3A_261 = arith.index_cast %swap3A_260 : i32 to index
        %swap3A_262 = arith.index_cast %scan3A_211 : i32 to index
        %swap3A_263 = arith.constant 48 : index
        %swap3A_264 = tpu.vector_load %arg17[%swap3A_261, %swap3A_262, %swap3A_263] {strides = array<i32>} : memref<1x50x80xf32, #tpu.memory_space<vmem>>, vector<16xf32>,
        tpu.vector_store %arg17[%swap3A_261, %swap3A_262, %swap3A_263], %select_n3A_259 {strides = array<i32>} : memref<1x50x80xf32, #tpu.memory_space<vmem>>, vector<16xf32>,
        %mul3A_265 = arith.constant 16 : i32
        %mul3A_266 = vector.broadcast %mul3A_265 : i32 to vector<16xi32>
        %mul3A_267 = arith.muli %gather3A_219, %mul3A_266 : vector<16xi32>
        %add3A_268 = arith.addi %mul3A_267, %iota3A_119 : vector<16xi32>
        %gather3A_269 = tpu.vector_load_idx %arg11[%add3A_268] : memref<16000xf32, #tpu.memory_space<vmem>>[vector<16xi32>], vector<16xf32>,
        %swap3A_270 = arith.constant 0 : i32
        %swap3A_271 = arith.index_cast %swap3A_270 : i32 to index
        %swap3A_272 = arith.index_cast %scan3A_211 : i32 to index
        %swap3A_273 = arith.constant 64 : index
        %swap3A_274 = tpu.vector_load %arg17[%swap3A_271, %swap3A_272, %swap3A_273] {strides = array<i32>} : memref<1x50x80xf32, #tpu.memory_space<vmem>>, vector<16xf32>,
        tpu.vector_store %arg17[%swap3A_271, %swap3A_272, %swap3A_273], %gather3A_269 {strides = array<i32>} : memref<1x50x80xf32, #tpu.memory_space<vmem>>, vector<16xf32>,
      }
      %scan3A_125 = arith.constant 50 : i32
      %mul3A_126 = arith.constant 128 : i32
      %mul3A_127 = arith.muli %add3A, %mul3A_126 : i32
      %add3A_128 = arith.addi %mul3A_127, %add3A_100 : i32
      %dma_start3A_129 = arith.constant 0 : i32
      %dma_start3A_130 = arith.constant 0 : i32
      %dma_start3A_131 = tpu.memref_slice %arg7[%add3A_128, %dma_start3A_129, %dma_start3A_130] : memref<4096x50x80xf32, #tpu.memory_space<hbm>> -> memref<1x50x80xf32, #tpu.memory_space<hbm>>
      %dma_start3A_132 = arith.constant 0 : i32
      %dma_start3A_133 = arith.constant 0 : i32
      %dma_start3A_134 = tpu.memref_slice %arg7[%add3A_128, %dma_start3A_132, %dma_start3A_133] : memref<4096x50x80xf32, #tpu.memory_space<hbm>> -> memref<1x50x80xf32, #tpu.memory_space<hbm>>
      tpu.enqueue_dma source(%arg17 : memref<1x50x80xf32, #tpu.memory_space<vmem>>) target(%dma_start3A_134 : memref<1x50x80xf32, #tpu.memory_space<hbm>>) target_semaphore(%arg25 : memref<!tpu.dma_semaphore, #tpu.memory_space<semaphore_mem>>)
      %mul3A_135 = arith.constant 4 : i32
      %mul3A_136 = arith.muli %scan3A_63, %mul3A_135 : i32
      %add3A_137 = arith.constant 2 : i32
      %add3A_138 = arith.addi %mul3A_136, %add3A_137 : i32
      %add3A_139 = arith.constant 3 : i32
      %add3A_140 = arith.addi %add3A_138, %add3A_139 : i32
      %lt3A_141 = arith.constant 128 : i32
      %lt3A_142 = arith.cmpi slt, %add3A_140, %lt3A_141 : i32
      %convert_element_type3A_143 = arith.extui %lt3A_142 : i1 to i32
      %cond3A_144 = arith.constant 0 : i32
      %cond3A_145 = arith.cmpi ne, %convert_element_type3A_143, %cond3A_144 : i32
      scf.if %cond3A_145 {
        %mul3A_211 = arith.constant 64 : i32
        %mul3A_212 = arith.muli %add3A_140, %mul3A_211 : i32
        %dma_start3A_213 = tpu.memref_slice %arg8[%mul3A_212] : memref<8192xi32, #tpu.memory_space<vmem>> -> memref<50xi32, #tpu.memory_space<vmem>>
        %dma_start3A_214 = arith.constant 0 : i32
        %dma_start3A_215 = arith.constant 0 : i32
        %dma_start3A_216 = tpu.memref_slice %arg5[%dma_start3A_214, %dma_start3A_215] : memref<500000x128xf32, #tpu.memory_space<hbm>> -> memref<500000x128xf32, #tpu.memory_space<hbm>>
        tpu.enqueue_indirect_dma source(%dma_start3A_216 : memref<500000x128xf32, #tpu.memory_space<hbm>>) target(%arg13 : memref<50x128xf32, #tpu.memory_space<vmem>>) offsets(%dma_start3A_213 : memref<50xi32, #tpu.memory_space<vmem>>) semaphore(%arg21 : memref<!tpu.dma_semaphore, #tpu.memory_space<semaphore_mem>>)
      } else {
      }
      %mul3A_146 = arith.constant 64 : i32
      %mul3A_147 = arith.muli %add3A_138, %mul3A_146 : i32
      %dma_wait3A_148 = tpu.memref_slice %arg8[%mul3A_147] : memref<8192xi32, #tpu.memory_space<vmem>> -> memref<50xi32, #tpu.memory_space<vmem>>
      %dma_wait3A_149 = arith.constant 0 : i32
      %dma_wait3A_150 = arith.constant 0 : i32
      %dma_wait3A_151 = tpu.memref_slice %arg5[%dma_wait3A_149, %dma_wait3A_150] : memref<500000x128xf32, #tpu.memory_space<hbm>> -> memref<500000x128xf32, #tpu.memory_space<hbm>>
      tpu.wait_indirect_dma semaphore(%arg22 : memref<!tpu.dma_semaphore, #tpu.memory_space<semaphore_mem>>) src(%dma_wait3A_151 : memref<500000x128xf32, #tpu.memory_space<hbm>>) dst(%arg14 : memref<50x128xf32, #tpu.memory_space<vmem>>)
      %ge3A_152 = arith.constant 4 : i32
      %ge3A_153 = arith.cmpi sge, %add3A_138, %ge3A_152 : i32
      %convert_element_type3A_154 = arith.extui %ge3A_153 : i1 to i32
      %cond3A_155 = arith.constant 0 : i32
      %cond3A_156 = arith.cmpi ne, %convert_element_type3A_154, %cond3A_155 : i32
      scf.if %cond3A_156 {
        %sub3A = arith.constant 4 : i32
        %sub3A_211 = arith.subi %add3A_138, %sub3A : i32
        %mul3A_212 = arith.constant 128 : i32
        %mul3A_213 = arith.muli %add3A, %mul3A_212 : i32
        %add3A_214 = arith.addi %mul3A_213, %sub3A_211 : i32
        %dma_wait3A_215 = arith.constant 0 : i32
        %dma_wait3A_216 = arith.constant 0 : i32
        %dma_wait3A_217 = tpu.memref_slice %arg7[%add3A_214, %dma_wait3A_215, %dma_wait3A_216] : memref<4096x50x80xf32, #tpu.memory_space<hbm>> -> memref<1x50x80xf32, #tpu.memory_space<hbm>>
        %dma_wait3A_218 = arith.constant 0 : i32
        %dma_wait3A_219 = arith.constant 0 : i32
        %dma_wait3A_220 = tpu.memref_slice %arg7[%add3A_214, %dma_wait3A_218, %dma_wait3A_219] : memref<4096x50x80xf32, #tpu.memory_space<hbm>> -> memref<1x50x80xf32, #tpu.memory_space<hbm>>
        tpu.wait_dma2 semaphore(%arg26 : memref<!tpu.dma_semaphore, #tpu.memory_space<semaphore_mem>>) src(%arg18 : memref<1x50x80xf32, #tpu.memory_space<vmem>>) dst(%dma_wait3A_220 : memref<1x50x80xf32, #tpu.memory_space<hbm>>)
      } else {
      }
      %iota3A_157 = tpu.iota {dimensions = array<i32: 0>} : vector<16xi32>
      %scan3A_158 = arith.constant 0 : i32
      %scan3A_159 = arith.constant 0 : i32
      %scan3A_160 = arith.constant 50 : i32
      %scan3A_161 = arith.addi %scan3A_159, %scan3A_160 : i32
      %scan3A_162 = arith.constant 1 : i32
      scf.for %scan3A_211 = %scan3A_159 to %scan3A_161 step %scan3A_162  : i32 {
        %mul3A_212 = arith.constant 64 : i32
        %mul3A_213 = arith.muli %add3A_138, %mul3A_212 : i32
        %add3A_214 = arith.addi %mul3A_213, %scan3A_211 : i32
        %broadcast_in_dim3A = vector.broadcast %add3A_214 : i32 to vector<16xi32>
        %gather3A = tpu.vector_load_idx %arg9[%broadcast_in_dim3A] : memref<8192xi32, #tpu.memory_space<vmem>>[vector<16xi32>], vector<16xi32>,
        %and3A = arith.constant 1 : i32
        %and3A_215 = vector.broadcast %and3A : i32 to vector<16xi32>
        %and3A_216 = arith.andi %gather3A, %and3A_215 : vector<16xi32>
        %ne3A = arith.constant 0 : i32
        %ne3A_217 = vector.broadcast %ne3A : i32 to vector<16xi32>
        %ne3A_218 = arith.cmpi ne, %and3A_216, %ne3A_217 : vector<16xi32>
        %gather3A_219 = tpu.vector_load_idx %arg10[%broadcast_in_dim3A] : memref<8192xi32, #tpu.memory_space<vmem>>[vector<16xi32>], vector<16xi32>,
        %get3A = arith.index_cast %scan3A_211 : i32 to index
        %get3A_220 = arith.constant 0 : index
        %get3A_221 = tpu.vector_load %arg14[%get3A, %get3A_220] {strides = array<i32>} : memref<50x128xf32, #tpu.memory_space<vmem>>, vector<16xf32>,
        %get3A_222 = arith.index_cast %scan3A_211 : i32 to index
        %get3A_223 = arith.constant 64 : index
        %get3A_224 = tpu.vector_load %arg14[%get3A_222, %get3A_223] {strides = array<i32>} : memref<50x128xf32, #tpu.memory_space<vmem>>, vector<16xf32>,
        %select_n3A = arith.select %ne3A_218, %get3A_224, %get3A_221 : vector<16xi1>, vector<16xf32>
        %swap3A = arith.constant 0 : i32
        %swap3A_225 = arith.index_cast %swap3A : i32 to index
        %swap3A_226 = arith.index_cast %scan3A_211 : i32 to index
        %swap3A_227 = arith.constant 0 : index
        %swap3A_228 = tpu.vector_load %arg18[%swap3A_225, %swap3A_226, %swap3A_227] {strides = array<i32>} : memref<1x50x80xf32, #tpu.memory_space<vmem>>, vector<16xf32>,
        tpu.vector_store %arg18[%swap3A_225, %swap3A_226, %swap3A_227], %select_n3A {strides = array<i32>} : memref<1x50x80xf32, #tpu.memory_space<vmem>>, vector<16xf32>,
        %get3A_229 = arith.index_cast %scan3A_211 : i32 to index
        %get3A_230 = arith.constant 16 : index
        %get3A_231 = tpu.vector_load %arg14[%get3A_229, %get3A_230] {strides = array<i32>} : memref<50x128xf32, #tpu.memory_space<vmem>>, vector<16xf32>,
        %get3A_232 = arith.index_cast %scan3A_211 : i32 to index
        %get3A_233 = arith.constant 80 : index
        %get3A_234 = tpu.vector_load %arg14[%get3A_232, %get3A_233] {strides = array<i32>} : memref<50x128xf32, #tpu.memory_space<vmem>>, vector<16xf32>,
        %select_n3A_235 = arith.select %ne3A_218, %get3A_234, %get3A_231 : vector<16xi1>, vector<16xf32>
        %swap3A_236 = arith.constant 0 : i32
        %swap3A_237 = arith.index_cast %swap3A_236 : i32 to index
        %swap3A_238 = arith.index_cast %scan3A_211 : i32 to index
        %swap3A_239 = arith.constant 16 : index
        %swap3A_240 = tpu.vector_load %arg18[%swap3A_237, %swap3A_238, %swap3A_239] {strides = array<i32>} : memref<1x50x80xf32, #tpu.memory_space<vmem>>, vector<16xf32>,
        tpu.vector_store %arg18[%swap3A_237, %swap3A_238, %swap3A_239], %select_n3A_235 {strides = array<i32>} : memref<1x50x80xf32, #tpu.memory_space<vmem>>, vector<16xf32>,
        %get3A_241 = arith.index_cast %scan3A_211 : i32 to index
        %get3A_242 = arith.constant 32 : index
        %get3A_243 = tpu.vector_load %arg14[%get3A_241, %get3A_242] {strides = array<i32>} : memref<50x128xf32, #tpu.memory_space<vmem>>, vector<16xf32>,
        %get3A_244 = arith.index_cast %scan3A_211 : i32 to index
        %get3A_245 = arith.constant 96 : index
        %get3A_246 = tpu.vector_load %arg14[%get3A_244, %get3A_245] {strides = array<i32>} : memref<50x128xf32, #tpu.memory_space<vmem>>, vector<16xf32>,
        %select_n3A_247 = arith.select %ne3A_218, %get3A_246, %get3A_243 : vector<16xi1>, vector<16xf32>
        %swap3A_248 = arith.constant 0 : i32
        %swap3A_249 = arith.index_cast %swap3A_248 : i32 to index
        %swap3A_250 = arith.index_cast %scan3A_211 : i32 to index
        %swap3A_251 = arith.constant 32 : index
        %swap3A_252 = tpu.vector_load %arg18[%swap3A_249, %swap3A_250, %swap3A_251] {strides = array<i32>} : memref<1x50x80xf32, #tpu.memory_space<vmem>>, vector<16xf32>,
        tpu.vector_store %arg18[%swap3A_249, %swap3A_250, %swap3A_251], %select_n3A_247 {strides = array<i32>} : memref<1x50x80xf32, #tpu.memory_space<vmem>>, vector<16xf32>,
        %get3A_253 = arith.index_cast %scan3A_211 : i32 to index
        %get3A_254 = arith.constant 48 : index
        %get3A_255 = tpu.vector_load %arg14[%get3A_253, %get3A_254] {strides = array<i32>} : memref<50x128xf32, #tpu.memory_space<vmem>>, vector<16xf32>,
        %get3A_256 = arith.index_cast %scan3A_211 : i32 to index
        %get3A_257 = arith.constant 112 : index
        %get3A_258 = tpu.vector_load %arg14[%get3A_256, %get3A_257] {strides = array<i32>} : memref<50x128xf32, #tpu.memory_space<vmem>>, vector<16xf32>,
        %select_n3A_259 = arith.select %ne3A_218, %get3A_258, %get3A_255 : vector<16xi1>, vector<16xf32>
        %swap3A_260 = arith.constant 0 : i32
        %swap3A_261 = arith.index_cast %swap3A_260 : i32 to index
        %swap3A_262 = arith.index_cast %scan3A_211 : i32 to index
        %swap3A_263 = arith.constant 48 : index
        %swap3A_264 = tpu.vector_load %arg18[%swap3A_261, %swap3A_262, %swap3A_263] {strides = array<i32>} : memref<1x50x80xf32, #tpu.memory_space<vmem>>, vector<16xf32>,
        tpu.vector_store %arg18[%swap3A_261, %swap3A_262, %swap3A_263], %select_n3A_259 {strides = array<i32>} : memref<1x50x80xf32, #tpu.memory_space<vmem>>, vector<16xf32>,
        %mul3A_265 = arith.constant 16 : i32
        %mul3A_266 = vector.broadcast %mul3A_265 : i32 to vector<16xi32>
        %mul3A_267 = arith.muli %gather3A_219, %mul3A_266 : vector<16xi32>
        %add3A_268 = arith.addi %mul3A_267, %iota3A_157 : vector<16xi32>
        %gather3A_269 = tpu.vector_load_idx %arg11[%add3A_268] : memref<16000xf32, #tpu.memory_space<vmem>>[vector<16xi32>], vector<16xf32>,
        %swap3A_270 = arith.constant 0 : i32
        %swap3A_271 = arith.index_cast %swap3A_270 : i32 to index
        %swap3A_272 = arith.index_cast %scan3A_211 : i32 to index
        %swap3A_273 = arith.constant 64 : index
        %swap3A_274 = tpu.vector_load %arg18[%swap3A_271, %swap3A_272, %swap3A_273] {strides = array<i32>} : memref<1x50x80xf32, #tpu.memory_space<vmem>>, vector<16xf32>,
        tpu.vector_store %arg18[%swap3A_271, %swap3A_272, %swap3A_273], %gather3A_269 {strides = array<i32>} : memref<1x50x80xf32, #tpu.memory_space<vmem>>, vector<16xf32>,
      }
      %scan3A_163 = arith.constant 50 : i32
      %mul3A_164 = arith.constant 128 : i32
      %mul3A_165 = arith.muli %add3A, %mul3A_164 : i32
      %add3A_166 = arith.addi %mul3A_165, %add3A_138 : i32
      %dma_start3A_167 = arith.constant 0 : i32
      %dma_start3A_168 = arith.constant 0 : i32
      %dma_start3A_169 = tpu.memref_slice %arg7[%add3A_166, %dma_start3A_167, %dma_start3A_168] : memref<4096x50x80xf32, #tpu.memory_space<hbm>> -> memref<1x50x80xf32, #tpu.memory_space<hbm>>
      %dma_start3A_170 = arith.constant 0 : i32
      %dma_start3A_171 = arith.constant 0 : i32
      %dma_start3A_172 = tpu.memref_slice %arg7[%add3A_166, %dma_start3A_170, %dma_start3A_171] : memref<4096x50x80xf32, #tpu.memory_space<hbm>> -> memref<1x50x80xf32, #tpu.memory_space<hbm>>
      tpu.enqueue_dma source(%arg18 : memref<1x50x80xf32, #tpu.memory_space<vmem>>) target(%dma_start3A_172 : memref<1x50x80xf32, #tpu.memory_space<hbm>>) target_semaphore(%arg26 : memref<!tpu.dma_semaphore, #tpu.memory_space<semaphore_mem>>)
      %mul3A_173 = arith.constant 4 : i32
      %mul3A_174 = arith.muli %scan3A_63, %mul3A_173 : i32
      %add3A_175 = arith.constant 3 : i32
      %add3A_176 = arith.addi %mul3A_174, %add3A_175 : i32
      %add3A_177 = arith.constant 3 : i32
      %add3A_178 = arith.addi %add3A_176, %add3A_177 : i32
      %lt3A_179 = arith.constant 128 : i32
      %lt3A_180 = arith.cmpi slt, %add3A_178, %lt3A_179 : i32
      %convert_element_type3A_181 = arith.extui %lt3A_180 : i1 to i32
      %cond3A_182 = arith.constant 0 : i32
      %cond3A_183 = arith.cmpi ne, %convert_element_type3A_181, %cond3A_182 : i32
      scf.if %cond3A_183 {
        %mul3A_211 = arith.constant 64 : i32
        %mul3A_212 = arith.muli %add3A_178, %mul3A_211 : i32
        %dma_start3A_213 = tpu.memref_slice %arg8[%mul3A_212] : memref<8192xi32, #tpu.memory_space<vmem>> -> memref<50xi32, #tpu.memory_space<vmem>>
        %dma_start3A_214 = arith.constant 0 : i32
        %dma_start3A_215 = arith.constant 0 : i32
        %dma_start3A_216 = tpu.memref_slice %arg5[%dma_start3A_214, %dma_start3A_215] : memref<500000x128xf32, #tpu.memory_space<hbm>> -> memref<500000x128xf32, #tpu.memory_space<hbm>>
        tpu.enqueue_indirect_dma source(%dma_start3A_216 : memref<500000x128xf32, #tpu.memory_space<hbm>>) target(%arg14 : memref<50x128xf32, #tpu.memory_space<vmem>>) offsets(%dma_start3A_213 : memref<50xi32, #tpu.memory_space<vmem>>) semaphore(%arg22 : memref<!tpu.dma_semaphore, #tpu.memory_space<semaphore_mem>>)
      } else {
      }
      %mul3A_184 = arith.constant 64 : i32
      %mul3A_185 = arith.muli %add3A_176, %mul3A_184 : i32
      %dma_wait3A_186 = tpu.memref_slice %arg8[%mul3A_185] : memref<8192xi32, #tpu.memory_space<vmem>> -> memref<50xi32, #tpu.memory_space<vmem>>
      %dma_wait3A_187 = arith.constant 0 : i32
      %dma_wait3A_188 = arith.constant 0 : i32
      %dma_wait3A_189 = tpu.memref_slice %arg5[%dma_wait3A_187, %dma_wait3A_188] : memref<500000x128xf32, #tpu.memory_space<hbm>> -> memref<500000x128xf32, #tpu.memory_space<hbm>>
      tpu.wait_indirect_dma semaphore(%arg23 : memref<!tpu.dma_semaphore, #tpu.memory_space<semaphore_mem>>) src(%dma_wait3A_189 : memref<500000x128xf32, #tpu.memory_space<hbm>>) dst(%arg15 : memref<50x128xf32, #tpu.memory_space<vmem>>)
      %ge3A_190 = arith.constant 4 : i32
      %ge3A_191 = arith.cmpi sge, %add3A_176, %ge3A_190 : i32
      %convert_element_type3A_192 = arith.extui %ge3A_191 : i1 to i32
      %cond3A_193 = arith.constant 0 : i32
      %cond3A_194 = arith.cmpi ne, %convert_element_type3A_192, %cond3A_193 : i32
      scf.if %cond3A_194 {
        %sub3A = arith.constant 4 : i32
        %sub3A_211 = arith.subi %add3A_176, %sub3A : i32
        %mul3A_212 = arith.constant 128 : i32
        %mul3A_213 = arith.muli %add3A, %mul3A_212 : i32
        %add3A_214 = arith.addi %mul3A_213, %sub3A_211 : i32
        %dma_wait3A_215 = arith.constant 0 : i32
        %dma_wait3A_216 = arith.constant 0 : i32
        %dma_wait3A_217 = tpu.memref_slice %arg7[%add3A_214, %dma_wait3A_215, %dma_wait3A_216] : memref<4096x50x80xf32, #tpu.memory_space<hbm>> -> memref<1x50x80xf32, #tpu.memory_space<hbm>>
        %dma_wait3A_218 = arith.constant 0 : i32
        %dma_wait3A_219 = arith.constant 0 : i32
        %dma_wait3A_220 = tpu.memref_slice %arg7[%add3A_214, %dma_wait3A_218, %dma_wait3A_219] : memref<4096x50x80xf32, #tpu.memory_space<hbm>> -> memref<1x50x80xf32, #tpu.memory_space<hbm>>
        tpu.wait_dma2 semaphore(%arg27 : memref<!tpu.dma_semaphore, #tpu.memory_space<semaphore_mem>>) src(%arg19 : memref<1x50x80xf32, #tpu.memory_space<vmem>>) dst(%dma_wait3A_220 : memref<1x50x80xf32, #tpu.memory_space<hbm>>)
      } else {
      }
      %iota3A_195 = tpu.iota {dimensions = array<i32: 0>} : vector<16xi32>
      %scan3A_196 = arith.constant 0 : i32
      %scan3A_197 = arith.constant 0 : i32
      %scan3A_198 = arith.constant 50 : i32
      %scan3A_199 = arith.addi %scan3A_197, %scan3A_198 : i32
      %scan3A_200 = arith.constant 1 : i32
      scf.for %scan3A_211 = %scan3A_197 to %scan3A_199 step %scan3A_200  : i32 {
        %mul3A_212 = arith.constant 64 : i32
        %mul3A_213 = arith.muli %add3A_176, %mul3A_212 : i32
        %add3A_214 = arith.addi %mul3A_213, %scan3A_211 : i32
        %broadcast_in_dim3A = vector.broadcast %add3A_214 : i32 to vector<16xi32>
        %gather3A = tpu.vector_load_idx %arg9[%broadcast_in_dim3A] : memref<8192xi32, #tpu.memory_space<vmem>>[vector<16xi32>], vector<16xi32>,
        %and3A = arith.constant 1 : i32
        %and3A_215 = vector.broadcast %and3A : i32 to vector<16xi32>
        %and3A_216 = arith.andi %gather3A, %and3A_215 : vector<16xi32>
        %ne3A = arith.constant 0 : i32
        %ne3A_217 = vector.broadcast %ne3A : i32 to vector<16xi32>
        %ne3A_218 = arith.cmpi ne, %and3A_216, %ne3A_217 : vector<16xi32>
        %gather3A_219 = tpu.vector_load_idx %arg10[%broadcast_in_dim3A] : memref<8192xi32, #tpu.memory_space<vmem>>[vector<16xi32>], vector<16xi32>,
        %get3A = arith.index_cast %scan3A_211 : i32 to index
        %get3A_220 = arith.constant 0 : index
        %get3A_221 = tpu.vector_load %arg15[%get3A, %get3A_220] {strides = array<i32>} : memref<50x128xf32, #tpu.memory_space<vmem>>, vector<16xf32>,
        %get3A_222 = arith.index_cast %scan3A_211 : i32 to index
        %get3A_223 = arith.constant 64 : index
        %get3A_224 = tpu.vector_load %arg15[%get3A_222, %get3A_223] {strides = array<i32>} : memref<50x128xf32, #tpu.memory_space<vmem>>, vector<16xf32>,
        %select_n3A = arith.select %ne3A_218, %get3A_224, %get3A_221 : vector<16xi1>, vector<16xf32>
        %swap3A = arith.constant 0 : i32
        %swap3A_225 = arith.index_cast %swap3A : i32 to index
        %swap3A_226 = arith.index_cast %scan3A_211 : i32 to index
        %swap3A_227 = arith.constant 0 : index
        %swap3A_228 = tpu.vector_load %arg19[%swap3A_225, %swap3A_226, %swap3A_227] {strides = array<i32>} : memref<1x50x80xf32, #tpu.memory_space<vmem>>, vector<16xf32>,
        tpu.vector_store %arg19[%swap3A_225, %swap3A_226, %swap3A_227], %select_n3A {strides = array<i32>} : memref<1x50x80xf32, #tpu.memory_space<vmem>>, vector<16xf32>,
        %get3A_229 = arith.index_cast %scan3A_211 : i32 to index
        %get3A_230 = arith.constant 16 : index
        %get3A_231 = tpu.vector_load %arg15[%get3A_229, %get3A_230] {strides = array<i32>} : memref<50x128xf32, #tpu.memory_space<vmem>>, vector<16xf32>,
        %get3A_232 = arith.index_cast %scan3A_211 : i32 to index
        %get3A_233 = arith.constant 80 : index
        %get3A_234 = tpu.vector_load %arg15[%get3A_232, %get3A_233] {strides = array<i32>} : memref<50x128xf32, #tpu.memory_space<vmem>>, vector<16xf32>,
        %select_n3A_235 = arith.select %ne3A_218, %get3A_234, %get3A_231 : vector<16xi1>, vector<16xf32>
        %swap3A_236 = arith.constant 0 : i32
        %swap3A_237 = arith.index_cast %swap3A_236 : i32 to index
        %swap3A_238 = arith.index_cast %scan3A_211 : i32 to index
        %swap3A_239 = arith.constant 16 : index
        %swap3A_240 = tpu.vector_load %arg19[%swap3A_237, %swap3A_238, %swap3A_239] {strides = array<i32>} : memref<1x50x80xf32, #tpu.memory_space<vmem>>, vector<16xf32>,
        tpu.vector_store %arg19[%swap3A_237, %swap3A_238, %swap3A_239], %select_n3A_235 {strides = array<i32>} : memref<1x50x80xf32, #tpu.memory_space<vmem>>, vector<16xf32>,
        %get3A_241 = arith.index_cast %scan3A_211 : i32 to index
        %get3A_242 = arith.constant 32 : index
        %get3A_243 = tpu.vector_load %arg15[%get3A_241, %get3A_242] {strides = array<i32>} : memref<50x128xf32, #tpu.memory_space<vmem>>, vector<16xf32>,
        %get3A_244 = arith.index_cast %scan3A_211 : i32 to index
        %get3A_245 = arith.constant 96 : index
        %get3A_246 = tpu.vector_load %arg15[%get3A_244, %get3A_245] {strides = array<i32>} : memref<50x128xf32, #tpu.memory_space<vmem>>, vector<16xf32>,
        %select_n3A_247 = arith.select %ne3A_218, %get3A_246, %get3A_243 : vector<16xi1>, vector<16xf32>
        %swap3A_248 = arith.constant 0 : i32
        %swap3A_249 = arith.index_cast %swap3A_248 : i32 to index
        %swap3A_250 = arith.index_cast %scan3A_211 : i32 to index
        %swap3A_251 = arith.constant 32 : index
        %swap3A_252 = tpu.vector_load %arg19[%swap3A_249, %swap3A_250, %swap3A_251] {strides = array<i32>} : memref<1x50x80xf32, #tpu.memory_space<vmem>>, vector<16xf32>,
        tpu.vector_store %arg19[%swap3A_249, %swap3A_250, %swap3A_251], %select_n3A_247 {strides = array<i32>} : memref<1x50x80xf32, #tpu.memory_space<vmem>>, vector<16xf32>,
        %get3A_253 = arith.index_cast %scan3A_211 : i32 to index
        %get3A_254 = arith.constant 48 : index
        %get3A_255 = tpu.vector_load %arg15[%get3A_253, %get3A_254] {strides = array<i32>} : memref<50x128xf32, #tpu.memory_space<vmem>>, vector<16xf32>,
        %get3A_256 = arith.index_cast %scan3A_211 : i32 to index
        %get3A_257 = arith.constant 112 : index
        %get3A_258 = tpu.vector_load %arg15[%get3A_256, %get3A_257] {strides = array<i32>} : memref<50x128xf32, #tpu.memory_space<vmem>>, vector<16xf32>,
        %select_n3A_259 = arith.select %ne3A_218, %get3A_258, %get3A_255 : vector<16xi1>, vector<16xf32>
        %swap3A_260 = arith.constant 0 : i32
        %swap3A_261 = arith.index_cast %swap3A_260 : i32 to index
        %swap3A_262 = arith.index_cast %scan3A_211 : i32 to index
        %swap3A_263 = arith.constant 48 : index
        %swap3A_264 = tpu.vector_load %arg19[%swap3A_261, %swap3A_262, %swap3A_263] {strides = array<i32>} : memref<1x50x80xf32, #tpu.memory_space<vmem>>, vector<16xf32>,
        tpu.vector_store %arg19[%swap3A_261, %swap3A_262, %swap3A_263], %select_n3A_259 {strides = array<i32>} : memref<1x50x80xf32, #tpu.memory_space<vmem>>, vector<16xf32>,
        %mul3A_265 = arith.constant 16 : i32
        %mul3A_266 = vector.broadcast %mul3A_265 : i32 to vector<16xi32>
        %mul3A_267 = arith.muli %gather3A_219, %mul3A_266 : vector<16xi32>
        %add3A_268 = arith.addi %mul3A_267, %iota3A_195 : vector<16xi32>
        %gather3A_269 = tpu.vector_load_idx %arg11[%add3A_268] : memref<16000xf32, #tpu.memory_space<vmem>>[vector<16xi32>], vector<16xf32>,
        %swap3A_270 = arith.constant 0 : i32
        %swap3A_271 = arith.index_cast %swap3A_270 : i32 to index
        %swap3A_272 = arith.index_cast %scan3A_211 : i32 to index
        %swap3A_273 = arith.constant 64 : index
        %swap3A_274 = tpu.vector_load %arg19[%swap3A_271, %swap3A_272, %swap3A_273] {strides = array<i32>} : memref<1x50x80xf32, #tpu.memory_space<vmem>>, vector<16xf32>,
        tpu.vector_store %arg19[%swap3A_271, %swap3A_272, %swap3A_273], %gather3A_269 {strides = array<i32>} : memref<1x50x80xf32, #tpu.memory_space<vmem>>, vector<16xf32>,
      }
      %scan3A_201 = arith.constant 50 : i32
      %mul3A_202 = arith.constant 128 : i32
      %mul3A_203 = arith.muli %add3A, %mul3A_202 : i32
      %add3A_204 = arith.addi %mul3A_203, %add3A_176 : i32
      %dma_start3A_205 = arith.constant 0 : i32
      %dma_start3A_206 = arith.constant 0 : i32
      %dma_start3A_207 = tpu.memref_slice %arg7[%add3A_204, %dma_start3A_205, %dma_start3A_206] : memref<4096x50x80xf32, #tpu.memory_space<hbm>> -> memref<1x50x80xf32, #tpu.memory_space<hbm>>
      %dma_start3A_208 = arith.constant 0 : i32
      %dma_start3A_209 = arith.constant 0 : i32
      %dma_start3A_210 = tpu.memref_slice %arg7[%add3A_204, %dma_start3A_208, %dma_start3A_209] : memref<4096x50x80xf32, #tpu.memory_space<hbm>> -> memref<1x50x80xf32, #tpu.memory_space<hbm>>
      tpu.enqueue_dma source(%arg19 : memref<1x50x80xf32, #tpu.memory_space<vmem>>) target(%dma_start3A_210 : memref<1x50x80xf32, #tpu.memory_space<hbm>>) target_semaphore(%arg27 : memref<!tpu.dma_semaphore, #tpu.memory_space<semaphore_mem>>)
    }
    %scan3A_23 = arith.constant 32 : i32
    %mul3A_24 = arith.constant 128 : i32
    %mul3A_25 = arith.muli %add3A, %mul3A_24 : i32
    %add3A_26 = arith.constant 124 : i32
    %add3A_27 = arith.addi %mul3A_25, %add3A_26 : i32
    %dma_wait3A = arith.constant 0 : i32
    %dma_wait3A_28 = arith.constant 0 : i32
    %dma_wait3A_29 = tpu.memref_slice %arg7[%add3A_27, %dma_wait3A, %dma_wait3A_28] : memref<4096x50x80xf32, #tpu.memory_space<hbm>> -> memref<1x50x80xf32, #tpu.memory_space<hbm>>
    %dma_wait3A_30 = arith.constant 0 : i32
    %dma_wait3A_31 = arith.constant 0 : i32
    %dma_wait3A_32 = tpu.memref_slice %arg7[%add3A_27, %dma_wait3A_30, %dma_wait3A_31] : memref<4096x50x80xf32, #tpu.memory_space<hbm>> -> memref<1x50x80xf32, #tpu.memory_space<hbm>>
    tpu.wait_dma2 semaphore(%arg24 : memref<!tpu.dma_semaphore, #tpu.memory_space<semaphore_mem>>) src(%arg16 : memref<1x50x80xf32, #tpu.memory_space<vmem>>) dst(%dma_wait3A_32 : memref<1x50x80xf32, #tpu.memory_space<hbm>>)
    %mul3A_33 = arith.constant 128 : i32
    %mul3A_34 = arith.muli %add3A, %mul3A_33 : i32
    %add3A_35 = arith.constant 125 : i32
    %add3A_36 = arith.addi %mul3A_34, %add3A_35 : i32
    %dma_wait3A_37 = arith.constant 0 : i32
    %dma_wait3A_38 = arith.constant 0 : i32
    %dma_wait3A_39 = tpu.memref_slice %arg7[%add3A_36, %dma_wait3A_37, %dma_wait3A_38] : memref<4096x50x80xf32, #tpu.memory_space<hbm>> -> memref<1x50x80xf32, #tpu.memory_space<hbm>>
    %dma_wait3A_40 = arith.constant 0 : i32
    %dma_wait3A_41 = arith.constant 0 : i32
    %dma_wait3A_42 = tpu.memref_slice %arg7[%add3A_36, %dma_wait3A_40, %dma_wait3A_41] : memref<4096x50x80xf32, #tpu.memory_space<hbm>> -> memref<1x50x80xf32, #tpu.memory_space<hbm>>
    tpu.wait_dma2 semaphore(%arg25 : memref<!tpu.dma_semaphore, #tpu.memory_space<semaphore_mem>>) src(%arg17 : memref<1x50x80xf32, #tpu.memory_space<vmem>>) dst(%dma_wait3A_42 : memref<1x50x80xf32, #tpu.memory_space<hbm>>)
    %mul3A_43 = arith.constant 128 : i32
    %mul3A_44 = arith.muli %add3A, %mul3A_43 : i32
    %add3A_45 = arith.constant 126 : i32
    %add3A_46 = arith.addi %mul3A_44, %add3A_45 : i32
    %dma_wait3A_47 = arith.constant 0 : i32
    %dma_wait3A_48 = arith.constant 0 : i32
    %dma_wait3A_49 = tpu.memref_slice %arg7[%add3A_46, %dma_wait3A_47, %dma_wait3A_48] : memref<4096x50x80xf32, #tpu.memory_space<hbm>> -> memref<1x50x80xf32, #tpu.memory_space<hbm>>
    %dma_wait3A_50 = arith.constant 0 : i32
    %dma_wait3A_51 = arith.constant 0 : i32
    %dma_wait3A_52 = tpu.memref_slice %arg7[%add3A_46, %dma_wait3A_50, %dma_wait3A_51] : memref<4096x50x80xf32, #tpu.memory_space<hbm>> -> memref<1x50x80xf32, #tpu.memory_space<hbm>>
    tpu.wait_dma2 semaphore(%arg26 : memref<!tpu.dma_semaphore, #tpu.memory_space<semaphore_mem>>) src(%arg18 : memref<1x50x80xf32, #tpu.memory_space<vmem>>) dst(%dma_wait3A_52 : memref<1x50x80xf32, #tpu.memory_space<hbm>>)
    %mul3A_53 = arith.constant 128 : i32
    %mul3A_54 = arith.muli %add3A, %mul3A_53 : i32
    %add3A_55 = arith.constant 127 : i32
    %add3A_56 = arith.addi %mul3A_54, %add3A_55 : i32
    %dma_wait3A_57 = arith.constant 0 : i32
    %dma_wait3A_58 = arith.constant 0 : i32
    %dma_wait3A_59 = tpu.memref_slice %arg7[%add3A_56, %dma_wait3A_57, %dma_wait3A_58] : memref<4096x50x80xf32, #tpu.memory_space<hbm>> -> memref<1x50x80xf32, #tpu.memory_space<hbm>>
    %dma_wait3A_60 = arith.constant 0 : i32
    %dma_wait3A_61 = arith.constant 0 : i32
    %dma_wait3A_62 = tpu.memref_slice %arg7[%add3A_56, %dma_wait3A_60, %dma_wait3A_61] : memref<4096x50x80xf32, #tpu.memory_space<hbm>> -> memref<1x50x80xf32, #tpu.memory_space<hbm>>
    tpu.wait_dma2 semaphore(%arg27 : memref<!tpu.dma_semaphore, #tpu.memory_space<semaphore_mem>>) src(%arg19 : memref<1x50x80xf32, #tpu.memory_space<vmem>>) dst(%dma_wait3A_62 : memref<1x50x80xf32, #tpu.memory_space<hbm>>)
    return
  }
}

</mosaic_0001>

<sc_bundles>
// kernel: _joint_embed.3.cloned.1.call-start
scs
__scs_entry_jumppad:
0x0: {  	(pc) =	sbr.rel $0x88, $3  }
0x1: {  	(tag) =	ssettag $0x0;
	lr =	simm.s32 $0x1  }
0x2: {  	[smem:$0x3F9C] =	sst lr;
	_ =	strace $0xD0000000  }
0x3: {  	_ = 	snop  }
0x4: {  	_ = 	snop  }
0x5: {  	_ = 	snop  }
0x6: {  	_ = 	snop  }
0x7: {  	_ = 	snop  }
__scs_overlays_trampoline_lowered:
0x8: {  	[smem:$0x3FAB] =	sst s0  }
0x9: {  	[smem:$0x3FAC] =	sst s1  }
0xa: {  	[smem:$0x3FAD] =	sst s2  }
0xb: {  	[smem:$0x3FAE] =	sst s3  }
0xc: {  	[smem:$0x3FAF] =	sst s4  }
0xd: {  	[smem:$0x3FB0] =	sst s5  }
0xe: {  	[smem:$0x3FB1] =	sst s6  }
0xf: {  	[smem:$0x3FB2] =	sst s7  }
0x10: {  	[smem:$0x3FB3] =	sst s8  }
0x11: {  	[smem:$0x3FB4] =	sst s9;
	s0 =	simm.s32 @!p0 $0x0  }
0x12: {  	s1 =	sld [smem:$0x3F9A];
	s0 =	simm.s32 @p0 $0x1  }
0x13: {  	[smem:$0x3FB5] =	sst s0;
	s0 =	simm.s32 @!p1 $0x0  }
0x14: {  	s2 =	sld [smem:$0x3F99];
	s0 =	simm.s32 @p1 $0x1  }
0x15: {  	[smem:$0x3FB6] =	sst s0;
	s0 =	simm.s32 @!p2 $0x0  }
0x16: {  	s3 =	sld [smem:$0x3FDB];
	s0 =	simm.s32 @p2 $0x1  }
0x17: {  	s4 =	simm.s32 $0x1BF5;
	[smem:$0x3FB8] =	sst s0  }
0x18: {  	s0 =	sld [smem:$0x3F9B];
	_ =	swait.ge [sflag:s4], $0x0  }
0x19: {  	s7 =	sld [smem:$0x3F9C]  }
0x1a: {  	s8 =	sadd.s32 $0xFFFFE003, lr  }
0x1b: {  	s9 =	sadd.s32 $0xFFFFFEF7, lr;
	s5 =	simm.s32 $0xFFFFFFFF;
	p2 =	slt.u32 s8, $0xFFFFF086  }
0x1c: {  	p1 =	slt.u32 s9, $0xF7A;
	s5 =	simm.s32 @!p2 $0x0  }
0x1d: {  	s5 =	simm.s32 @p1 $0x1;
	p0 =	seq.s32 s7, s2  }
0x1e: {  	s7 =	smul.u32 @!p0 $0xF7A, s2;
	p2 =	seq.s32 @!p0 s5, $0x0  }
0x1f: {  	s9 =	smul.u32 $0xF7A, s1;
	s8 =	simm.s32 @!p0 $0x1BF5;
	p2 =	por !p2, p0  }
0x20: {  	[sflag:s8] =	ssyncset.s32 @!p0 $0xFFFFF086;
	s6 =	sadd.s32 @!p0 s3, s7;
	s7 =	simm.s32 @!p0 $0x108  }
0x21: {  	s3 =	sadd.s32 s3, s9;
	s6 =	sadd.s32 @!p0 $0x88, s6;
	s7 =	simm.s32 @p2 $0x1082  }
0x22: {  	[simem:s7], [sflag:s8] =	dma.local @!p0 [hbm:s6], $0xF7A  }
0x23: {  	s9 =	sor.u32 $0xD0000000, s2;
	s6 =	simm.s32 $0x108;
	_ =	swait.ge @!p0 [sflag:s8], $0x0  }
0x24: {  	s3 =	sadd.s32 $0x88, s3;
	s6 =	simm.s32 @!p1 $0x1082;
	[sflag:s4] =	ssyncset.s32 $0xFFFFF086  }
0x25: {  	[simem:s6], [sflag:s4] =	dma.local [hbm:s3], $0xF7A  }
0x26: {  	[smem:$0x3F9C] =	sst s1;
	(tag) =	ssettag s2;
	_ =	strace s9  }
0x27: {  	s1 =	sld [smem:$0x3FAC]  }
0x28: {  	s2 =	sld [smem:$0x3FAD]  }
0x29: {  	s4 =	sld [smem:$0x3FAF]  }
0x2a: {  	p0 =	seq.s32 s5, $0x0;
	s5 =	sld [smem:$0x3FB0]  }
0x2b: {  	s6 =	sld [smem:$0x3FB1]  }
0x2c: {  	s7 =	sld [smem:$0x3FB2]  }
0x2d: {  	s3 =	simm.s32 $0x108;
	s8 =	sld [smem:$0x3FB3]  }
0x2e: {  	s3 =	simm.s32 @!p0 $0x1082;
	s9 =	sld [smem:$0x3FB4]  }
0x2f: {  	lr =	sadd.s32 s0, s3;
	s0 =	sld [smem:$0x3FAB]  }
0x30: {  	s3 =	sld [smem:$0x3FAE]  }
0x31: {  	[smem:$0x3FB7] =	sst s10  }
0x32: {  	s10 =	sld [smem:$0x3FB5];
	_ =	sdelay $0x3  }
0x33: {  	p0 =	seq.s32 s10, $0x1;
	s10 =	sld [smem:$0x3FB7];
	_ =	sdelay $0x3  }
0x34: {  	[smem:$0x3FB7] =	sst s10  }
0x35: {  	s10 =	sld [smem:$0x3FB6];
	_ =	sdelay $0x3  }
0x36: {  	p1 =	seq.s32 s10, $0x1;
	s10 =	sld [smem:$0x3FB7];
	_ =	sdelay $0x3  }
0x37: {  	[smem:$0x3FB7] =	sst s10  }
0x38: {  	s10 =	sld [smem:$0x3FB8]  }
0x39: {  	_ = 	snop;
	(pc) =	sbr.ind lr, $3  }
0x3a: {  	_ = 	snop  }
0x3b: {  	_ = 	snop  }
0x3c: {  	p2 =	seq.s32 s10, $0x1;
	s10 =	sld [smem:$0x3FB7]  }
0x3d: {  	_ =	shalt  }
0x3e: {  	_ =	shalt  }
0x3f: {  	_ =	shalt  }
0x40: {  	_ =	shalt  }
0x41: {  	_ =	shalt  }
0x42: {  	_ =	shalt  }
0x43: {  	_ =	shalt  }
0x44: {  	_ =	shalt  }
0x45: {  	_ =	shalt  }
0x46: {  	_ =	shalt  }
0x47: {  	_ =	shalt  }
0x48: {  	_ =	shalt  }
0x49: {  	_ =	shalt  }
0x4a: {  	_ =	shalt  }
0x4b: {  	_ =	shalt  }
0x4c: {  	_ =	shalt  }
0x4d: {  	_ =	shalt  }
0x4e: {  	_ =	shalt  }
0x4f: {  	_ =	shalt  }
0x50: {  	_ =	shalt  }
0x51: {  	_ =	shalt  }
0x52: {  	_ =	shalt  }
0x53: {  	_ =	shalt  }
0x54: {  	_ =	shalt  }
0x55: {  	_ =	shalt  }
0x56: {  	_ =	shalt  }
0x57: {  	_ =	shalt  }
0x58: {  	_ =	shalt  }
0x59: {  	_ =	shalt  }
0x5a: {  	_ =	shalt  }
0x5b: {  	_ =	shalt  }
0x5c: {  	_ =	shalt  }
0x5d: {  	_ =	shalt  }
0x5e: {  	_ =	shalt  }
0x5f: {  	_ =	shalt  }
0x60: {  	_ =	shalt  }
0x61: {  	_ =	shalt  }
0x62: {  	_ =	shalt  }
0x63: {  	_ =	shalt  }
0x64: {  	_ =	shalt  }
0x65: {  	_ =	shalt  }
0x66: {  	_ =	shalt  }
0x67: {  	_ =	shalt  }
0x68: {  	_ =	shalt  }
0x69: {  	_ =	shalt  }
0x6a: {  	_ =	shalt  }
0x6b: {  	_ =	shalt  }
0x6c: {  	_ =	shalt  }
0x6d: {  	_ =	shalt  }
0x6e: {  	_ =	shalt  }
0x6f: {  	_ =	shalt  }
0x70: {  	_ =	shalt  }
0x71: {  	_ =	shalt  }
0x72: {  	_ =	shalt  }
0x73: {  	_ =	shalt  }
0x74: {  	_ =	shalt  }
0x75: {  	_ =	shalt  }
0x76: {  	_ =	shalt  }
0x77: {  	_ =	shalt  }
0x78: {  	_ =	shalt  }
0x79: {  	_ =	shalt  }
0x7a: {  	_ =	shalt  }
0x7b: {  	_ =	shalt  }
0x7c: {  	_ =	shalt  }
0x7d: {  	_ =	shalt  }
0x7e: {  	_ =	shalt  }
0x7f: {  	_ =	shalt  }
0x80: {  	_ =	shalt  }
0x81: {  	_ =	shalt  }
0x82: {  	_ =	shalt  }
0x83: {  	_ =	shalt  }
0x84: {  	_ =	shalt  }
0x85: {  	_ =	shalt  }
0x86: {  	_ =	shalt  }
0x87: {  	_ =	shalt  }
.Lfunc_end0:
.L_simem_size_0:
called_computation_lowered:
.L_overlay_start_0:
0x88: {  	s2 =	sld [smem:$0x3FD9]  }
0x89: {  	s3 =	sld [smem:$0x3FFE];
	_ =	sdelay $0x1  }
0x8a: {  	s1 =	srdreg.scid  }
0x8b: {  	s0 =	sand.u32 $0x1, s1  }
0x8c: {  	s17 =	sshll.u32 s0, $0xA;
	s2 =	sadd.s32 s3, s2  }
0x8d: {  	s2 =	sadd.s32 s2, s17  }
0x8e: {  	[smem:$0x3FC3] =	sst s2  }
0x8f: {  	_ = 	snop  }
0x90: {  	s2 =	sld [smem:$0x3FC9]  }
0x91: {  	s18 =	sld [smem:$0x3FC8]  }
0x92: {  	s4 =	sld [smem:$0x3FC7]  }
0x93: {  	s5 =	sld [smem:$0x3FC6]  }
0x94: {  	s6 =	sld [smem:$0x3FC5];
	(tm) =	ssettm $0x1  }
0x95: {  	s7 =	sld [smem:$0x3FFB];
	_ =	sdelay $0x3  }
0x96: {  	_ =	strace s7  }
0x97: {  	s7 =	sld [smem:$0x3FFC];
	_ =	sdelay $0x3  }
0x98: {  	_ =	strace s7  }
0x99: {  	s7 =	sld [smem:$0x3FFD];
	_ =	sdelay $0x3  }
0x9a: {  	_ =	strace s7  }
0x9b: {  	_ =	strace $0x8FFFFFFF  }
0x9c: {  	s19 =	sld [smem:$0x3FDB];
	_ =	sdelay $0x1  }
0x9d: {  	s8 =	simm.s32 $_scs_section_size  }
0x9e: {  	s9 =	simm.s32 $_size__tile_overlayer_lowered;
	s10 =	simm.s32 $_tile_overlayer_lowered  }
0x9f: {  	s22 =	simm.s32 $0x1BFF;
	s21 =	sshll.u32 s10, $0x1;
	s7 =	sadd.s32 s8, s19  }
0xa0: {  	s11 =	simm.s32 $0x0;
	s20 =	sshll.u32 s9, $0x1;
	s9 =	sadd.s32 s21, s7  }
0xa1: {  	[timem:s11], [sflag:s22] =	dma.local [hbm:s9], s20  }
0xa2: {  	_ =	swait.ge [sflag:s22], s20  }
0xa3: {  	s8 =	ssub.s32 $0x0, s20;
	[sflag:s22] =	ssyncset.done $0x0  }
0xa4: {  	[sflag:s22] =	ssyncadd.s32 s8;
	_ =	sdelay $0x1  }
0xa5: {  	s23 =	simm.s32 $0x1B8B  }
0xa6: {  	_ =	swait.ge [sflag:s23], $0x1  }
0xa7: {  	[sflag:s23] =	ssyncset.done $0x0  }
0xa8: {  	s25 =	simm.s32 $0x1B8E;
	s24 =	sld [smem:$0x3FFE];
	[sflag:s23] =	ssyncadd.s32 $0xFFFFFFFF  }
0xa9: {  	s26 =	simm.s32 $execute0_lowered;
	[smem:$0x3FD2] =	sst s25  }
0xaa: {  	s9 =	sshll.u32 s26, $0x1;
	_ =	strace $0x80000046;
	[dreg:$0x1] =	wrdreg $0xFFFFFFFF  }
0xab: {  	s28 =	simm.s32 $_size_execute0_lowered;
	s7 =	sadd.s32 s7, s9;
	[dreg:$0x0] =	wrdreg $0x0  }
0xac: {  	s9 =	sshll.u32 s28, $0x1;
	[dreg:$0x2] =	wrdreg s7  }
0xad: {  	[dreg:$0x3] =	wrdreg s9  }
0xae: {  	[dreg:$0x4] =	wrdreg $0xC0  }
0xaf: {  	_ =	task [dreg:s11], $0x5FFFF  }
0xb0: {  	[dreg:$0x1] =	wrdreg $0xFFFFFFFF  }
0xb1: {  	[dreg:$0x0] =	wrdreg $0x60  }
0xb2: {  	[dreg:$0x2] =	wrdreg s2  }
0xb3: {  	[dreg:$0x3] =	wrdreg s18  }
0xb4: {  	[dreg:$0x4] =	wrdreg s4  }
0xb5: {  	[dreg:$0x5] =	wrdreg s5  }
0xb6: {  	[dreg:$0x6] =	wrdreg s6  }
0xb7: {  	[dreg:$0x7] =	wrdreg s24  }
0xb8: {  	[dreg:$0x8] =	wrdreg $0x9  }
0xb9: {  	_ =	task.clear_ibuf [dreg:s11], $0x9FFFF;
	_ =	strace $0x90000046  }
0xba: {  	s29 =	simm.s32 $0x9;
	_ =	strace $0x80000048  }
0xbb: {  	_ =	swait.ge [sflag:s29], $0x1  }
0xbc: {  	[sflag:s29] =	ssyncadd.s32 $0xFFFFFFFF  }
0xbd: {  	_ =	strace $0x90000048  }
0xbe: {  	_ =	sfence  }
0xbf: {  	s30 =	sld [smem:$0x0];
	_ =	sdelay $0x2  }
0xc0: {  	s31 =	sshll.u32 s1, $0xD;
	s1 =	sshrl.u32 s1, $0x2  }
0xc1: {  	s3 =	sand.u32 $0x4000, s31;
	s1 =	sadd.s32 s1, s30  }
0xc2: {  	s0 =	sor.u32 s3, s0;
	s1 =	sshll.u32 s1, $0x11  }
0xc3: {  	s0 =	sor.u32 s1, s0  }
0xc4: {  	s0 =	sadd.s32 $0x8F2B, s0  }
0xc5: {  	[sflag:s0] =	ssyncadd.remote.s32 $0x1  }
0xc6: {  	_ =	sfence.sel $0xFFFF  }
0xc7: {  	[dreg:$0x0] =	wrdreg $0xFFFFFFFF;
	(pc) =	sbr.abs _section_cstart, $3  }
0xc8: {  	[dreg:$0x1] =	wrdreg $0xFFFFFFFF  }
0xc9: {  	_ =	task.clear_ibuf [dreg:s11], $0x2FFFF;
	_ =	strace $0x9FFFFFFF  }
0xca: {  	(tm) =	ssettm $0x7FFFFFFF  }
0xcb: {  	_ =	shalt  }
tec
execute0_lowered:
.L_overlay_start_1:
0x0: {  	(tag) =	ssettag $0x1  }
0x1: {  	s0 =	rddreg [dreg:$0x0]  }
0x2: {  	s2 =	rddreg [dreg:$0x1]  }
0x3: {  	s3 =	rddreg [dreg:$0x2]  }
0x4: {  	s1 =	rddreg [dreg:$0x3]  }
0x5: {  	s5 =	rddreg [dreg:$0x5]  }
0x6: {  	s6 =	srdreg.scid;
	s4 =	simm.s32 $0x0;
	s8 =	stileid.u32  }
0x7: {  	s12 =	simm.s32 $0x2000;
	s13 =	simm.s32 $0x4000;
	s14 =	simm.s32 $0x6000  }
0x8: {  	s15 =	simm.s32 $0x32;
	s20 =	simm.s32 $0x1;
	s22 =	simm.s32 $0x2  }
0x9: {  	s23 =	simm.s32 $0x6;
	s28 =	simm.s32 $0x14680;
	s29 =	simm.s32 $0x4  }
0xa: {  	s30 =	simm.s32 $0x8;
	s6 =	sand.u32 $0x1, s6;
	s8 =	sshll.u32 s8, $0x1  }
0xb: {  	s31 =	simm.s32 $0x16280;
	s7 =	ssub.s32 $0x2, s6;
	s6 =	sor.u32 s6, s8  }
0xc: {  	[smem:$0x7FF] =	sst s4;
	s5 =	sadd.s32 $0x400, s5;
	s8 =	sshll.u32 s6, $0xA  }
0xd: {  	_ =	strace $0x80000047;
	s9 =	sshrl.u32 s7, $0x1;
	s0 =	sadd.s32 s0, s8  }
0xe: {  	s7 =	ssub.s32 s7, s9;
	s24 =	sadd.s32 s2, s8;
	[dreg:$0x7] =	wrdreg s0  }
0xf: {  	s25 =	sadd.s32 s3, s8;
	s9 =	sshll.u32 s6, $0x7;
	[dreg:$0x8] =	wrdreg s24  }
0x10: {  	s2 =	simm.s32 $0x0;
	[dreg:$0x9] =	wrdreg s25;
	s26 =	smax.u32 s7, $0x1  }
0x11: {  	v0 =	vlaneseq.u32;
	s25 =	simm.s32 $0x3;
	[dreg:$0xa] =	wrdreg s26;
	s26 =	simm.s32 $0x7  }
.LBB2_1:
0x12: {  	[dreg:$0xb] =	wrdreg s2  }
0x13: {  	s0 =	rddreg [dreg:$0x7];
	s11 =	simm.s32 $0x9  }
0x14: {  	[tilespmem:s4], [sflag:$0x9] =	stream.linear.gather [hbm4b:s0+s4], $0x2000, $0x38;
	[tilespmem:$0x17E80] =	vst v63  }
0x15: {  	_ =	swait.ge [sflag:s11], $0x2000  }
0x16: {  	[sflag:s11] =	ssyncset.done $0x0  }
0x17: {  	s16 =	rddreg [dreg:$0x8];
	[sflag:s11] =	ssyncadd.s32 $0xFFFFE000  }
0x18: {  	[tilespmem:s12], [sflag:$0x9] =	stream.linear.gather [hbm4b:s16+s4], $0x2000, $0x38;
	[tilespmem:$0x17E80] =	vst v63  }
0x19: {  	_ =	swait.ge [sflag:s11], $0x2000  }
0x1a: {  	[sflag:s11] =	ssyncset.done $0x0  }
0x1b: {  	s17 =	rddreg [dreg:$0x9];
	[sflag:s11] =	ssyncadd.s32 $0xFFFFE000  }
0x1c: {  	[tilespmem:s13], [sflag:$0x9] =	stream.linear.gather [hbm4b:s17+s4], $0x2000, $0x38;
	[tilespmem:$0x17E80] =	vst v63  }
0x1d: {  	_ =	swait.ge [sflag:s11], $0x2000  }
0x1e: {  	[sflag:s11] =	ssyncset.done $0x0  }
0x1f: {  	[sflag:s11] =	ssyncadd.s32 $0xFFFFE000  }
0x20: {  	s18 =	rddreg [dreg:$0x4]  }
0x21: {  	[tilespmem:s14], [sflag:$0x9] =	stream.linear.gather [hbm4b:s18+s4], $0x3E80, $0x38;
	[tilespmem:$0x17E80] =	vst v63  }
0x22: {  	_ =	swait.ge [sflag:s11], $0x3E80  }
0x23: {  	[sflag:s11] =	ssyncset.done $0x0  }
0x24: {  	s19 =	simm.s32 $0x9E80;
	s2 =	simm.s32 $0x40;
	[sflag:s11] =	ssyncadd.s32 $0xFFFFC180  }
0x25: {  	[tilespmem:s19], [sflag:$0x1] =	stream.indirect.gather [hbm4b:s1+s15], $0x80, s4, s15, $0xb8;
	[tilespmem:$0x17E80] =	vst v63  }
0x26: {  	s21 =	simm.s32 $0xBA80;
	s6 =	simm.s32 $0x80;
	s24 =	simm.s32 $0xD680  }
0x27: {  	[tilespmem:s21], [sflag:$0x2] =	stream.indirect.gather [hbm4b:s1+s15], $0x80, s2, s15, $0xb8;
	[tilespmem:$0x17E80] =	vst v63  }
0x28: {  	s7 =	simm.s32 $0xC0;
	s8 =	simm.s32 $0x0;
	s10 =	simm.s32 $0x0  }
0x29: {  	[tilespmem:s24], [sflag:$0x3] =	stream.indirect.gather [hbm4b:s1+s15], $0x80, s6, s15, $0xb8;
	[tilespmem:$0x17E80] =	vst v63  }
.LBB2_2:
0x2a: {  	s0 =	sshllo.u32 s10, $0x2  }
0x2b: {  	s3 =	sshll.u32 s0, $0x6  }
0x2c: {  	s11 =	simm.s32 $0xF280;
	s3 =	sand.u32 $0x3FFFFFC0, s3  }
0x2d: {  	[tilespmem:s11], [sflag:$0x4] =	stream.indirect.gather [hbm4b:s1+s15], $0x80, s3, s15, $0xb8;
	[tilespmem:$0x17E80] =	vst v63  }
0x2e: {  	_ =	swait.ge [sflag:s20], $0x1900  }
0x2f: {  	p0 =	seq.s32 s10, $0x0;
	[sflag:s20] =	ssyncset.done $0x0  }
0x30: {  	s3 =	simm.s32 @!p0 $0x5;
	[sflag:s20] =	ssyncadd.s32 $0xFFFFE700  }
0x31: {  	_ =	swait.ge @!p0 [sflag:s3], $0x1900  }
0x32: {  	[sflag:s3] =	ssyncset.done @!p0 $0x0  }
0x33: {  	[sflag:s3] =	ssyncadd.s32 @!p0 $0xFFFFE700;
	s3 =	simm.s32 $0x0  }
0x34: {  	v3 =	vld [tilespmem:s3+$0x9EE0]  }
0x35: {  	v1 =	vmov s8;
	v2 =	vld [tilespmem:s3+$0x9EB0]  }
0x36: {  	v5 =	vld [tilespmem:s3+$0x9EA0]  }
0x37: {  	v6 =	vld [tilespmem:s3+$0x9E80]  }
0x38: {  	v4 =	vld [tilespmem:s3+$0x9EF0]  }
0x39: {  	v7 =	vld [tilespmem:s3+$0x9ED0]  }
0x3a: {  	v10 =	vld.idx.msk [tilespmem:v1+s12+$0x0], $0xffff  }
0x3b: {  	v9 =	vld.idx.msk [tilespmem:v1+s13+$0x0], $0xffff  }
0x3c: {  	s17 =	sadd.s32 $0x1, s8;
	v8 =	vld [tilespmem:s3+$0x9E90]  }
0x3d: {  	s16 =	simm.s32 $0x200;
	s18 =	simm.s32 $0x400;
	s11 =	sshll.u32 s10, $0x2;
	v1 =	vmov s17;
	v11 =	vld [tilespmem:s3+$0x9EC0]  }
.LBB2_3:
0x3e: {  	p1 =	sne.s32 s18, $0x6200;
	s19 =	smov.u32 s18;
	s18 =	sadd.s32 $0x200, s18  }
0x3f: {  	_ = 	snop  }
0x40: {  	v10 =	vand.u32 $0x1, v10  }
0x41: {  	vm0 =	veq.s32 v10, $0x0;
	v9 =	vshll.u32 v9, $0x4  }
0x42: {  	v7 =	vsel vm0, v8, v7;
	v8 =	vor.u32 v0, v9;
	v6 =	vsel vm0, v6, v11  }
0x43: {  	v3 =	vsel vm0, v5, v3;
	v4 =	vsel vm0, v2, v4;
	[tilespmem:s3+$0x10E80] =	vst v6  }
0x44: {  	s21 =	sshra.s32 s16, $0x2;
	s16 =	smov.u32 s19;
	[tilespmem:s3+$0x10EA0] =	vst v3  }
0x45: {  	v3 =	vld [tilespmem:s21+$0x9EE0];
	[tilespmem:s3+$0x10E90] =	vst v7  }
0x46: {  	v2 =	vld [tilespmem:s21+$0x9EB0];
	[tilespmem:s3+$0x10EB0] =	vst v4  }
0x47: {  	v8 =	vld.idx.msk [tilespmem:v8+s14+$0x0], $0xffff  }
0x48: {  	v5 =	vld [tilespmem:s21+$0x9EA0]  }
0x49: {  	v6 =	vld [tilespmem:s21+$0x9E80]  }
0x4a: {  	v4 =	vld [tilespmem:s21+$0x9EF0];
	_ =	sdelay $0x2  }
.Ltmp0:
0x4b: {  	v7 =	vld [tilespmem:s21+$0x9ED0];
	[tilespmem:s3+$0x10EC0] =	vst v8;
	s3 =	smov.u32 s21;
	(pc) =	sbr.rel @p1 .LBB2_3-.Ltmp0, $4  }
0x4c: {  	s17 =	sadd.s32 $0x1, s17;
	v10 =	vld.idx.msk [tilespmem:v1+s12+$0x0], $0xffff  }
0x4d: {  	v9 =	vld.idx.msk [tilespmem:v1+s13+$0x0], $0xffff;
	v1 =	vmov s17  }
0x4e: {  	v8 =	vld [tilespmem:s3+$0x9E90]  }
0x4f: {  	v11 =	vld [tilespmem:s3+$0x9EC0]  }
0x50: {  	_ = 	snop  }
0x51: {  	v10 =	vand.u32 $0x1, v10  }
0x52: {  	vm0 =	veq.s32 v10, $0x0;
	v9 =	vshll.u32 v9, $0x4  }
0x53: {  	v3 =	vsel vm0, v5, v3;
	v56 =	vor.u32 v0, v9  }
0x54: {  	v6 =	vsel vm0, v6, v11;
	[tilespmem:s3+$0x10EA0] =	vst v3  }
0x55: {  	s16 =	sshra.s32 s16, $0x2;
	v3 =	vsel vm0, v8, v7;
	[tilespmem:s3+$0x10E80] =	vst v6  }
0x56: {  	v2 =	vsel vm0, v2, v4;
	v6 =	vld [tilespmem:s16+$0x9EE0];
	[tilespmem:s3+$0x10E90] =	vst v3  }
0x57: {  	v3 =	vld [tilespmem:s16+$0x9EB0];
	[tilespmem:s3+$0x10EB0] =	vst v2  }
0x58: {  	v2 =	vld.idx.msk [tilespmem:v56+s14+$0x0], $0xffff;
	_ =	sdelay $0x1  }
0x59: {  	v57 =	vld [tilespmem:s16+$0x9EA0]  }
0x5a: {  	v58 =	vld [tilespmem:s16+$0x9E80]  }
0x5b: {  	v59 =	vld [tilespmem:s16+$0x9EF0]  }
0x5c: {  	v60 =	vld [tilespmem:s16+$0x9ED0];
	[tilespmem:s3+$0x10EC0] =	vst v2  }
0x5d: {  	v2 =	vld.idx.msk [tilespmem:v1+s12+$0x0], $0xffff  }
0x5e: {  	v1 =	vld.idx.msk [tilespmem:v1+s13+$0x0], $0xffff  }
0x5f: {  	v61 =	vld [tilespmem:s16+$0x9EC0]  }
0x60: {  	v62 =	vld [tilespmem:s16+$0x9E90];
	_ =	sdelay $0x1  }
0x61: {  	v2 =	vand.u32 $0x1, v2  }
0x62: {  	v1 =	vshll.u32 v1, $0x4;
	vm15 =	veq.s32 v2, $0x0  }
0x63: {  	v1 =	vor.u32 v0, v1;
	v2 =	vsel vm15, v58, v61  }
0x64: {  	v63 =	vsel vm15, v62, v60;
	[tilespmem:s16+$0x10E80] =	vst v2  }
0x65: {  	v2 =	vsel vm15, v57, v6;
	[tilespmem:s16+$0x10E90] =	vst v63  }
0x66: {  	[tilespmem:s16+$0x10EA0] =	vst v2;
	v2 =	vsel vm15, v3, v59  }
0x67: {  	[tilespmem:s16+$0x10EB0] =	vst v2  }
0x68: {  	v1 =	vld.idx.msk [tilespmem:v1+s14+$0x0], $0xffff  }
0x69: {  	p1 =	sne.s32 s10, $0x1F  }
.Ltmp1:
0x6a: {  	s21 =	sadd.s32 s9, s11;
	(pc) =	sbr.rel @p1 .LBB2_6-.Ltmp1, $3  }
0x6b: {  	s3 =	smul.u32 $0x380, s21;
	_ =	sdelay $0x1  }
0x6c: {  	s24 =	simm.s32 $0x10E80;
	s3 =	sadd.s32 s5, s3;
	[tilespmem:s16+$0x10EC0] =	vst v1  }
0x6d: {  	[hbm4b:s3+s4] =	stream.linear.scatter [tilespmem:s24], [sflag:$0x5], $0x1900, $0x38;
	[tilespmem:$0x17E80] =	vst v63  }
.Ltmp2:
0x6e: {  	(pc) =	sbr.rel .LBB2_7-.Ltmp2, $4  }
0x6f: {  	_ = 	snop  }
0x70: {  	_ =	swait.ge [sflag:s22], $0x1900  }
0x71: {  	[sflag:s22] =	ssyncset.done $0x0  }
0x72: {  	[sflag:s22] =	ssyncadd.s32 $0xFFFFE700  }
.LBB2_6:
0x73: {  	s3 =	sshll.u32 s10, $0x8  }
0x74: {  	s3 =	sand.u32 $0x3FFFFF00, s3  }
.Ltmp3:
0x75: {  	s16 =	simm.s32 $0x9E80;
	s3 =	sadd.s32 $0x100, s3;
	(pc) =	sbr.rel @p0 .LBB2_8-.Ltmp3, $4  }
0x76: {  	[tilespmem:s16], [sflag:$0x1] =	stream.indirect.gather [hbm4b:s1+s15], $0x80, s3, s15, $0xb8;
	[tilespmem:$0x17E80] =	vst v63  }
0x77: {  	_ =	swait.ge [sflag:s22], $0x1900  }
0x78: {  	[sflag:s22] =	ssyncset.done $0x0  }
0x79: {  	[sflag:s22] =	ssyncadd.s32 $0xFFFFE700  }
.LBB2_7:
0x7a: {  	_ =	swait.ge [sflag:s23], $0x1900  }
0x7b: {  	[sflag:s23] =	ssyncset.done $0x0  }
0x7c: {  	[sflag:s23] =	ssyncadd.s32 $0xFFFFE700  }
.LBB2_8:
0x7d: {  	s16 =	simm.s32 $0x0  }
0x7e: {  	v3 =	vld [tilespmem:s16+$0xBAE0]  }
0x7f: {  	v2 =	vld [tilespmem:s16+$0xBAB0]  }
0x80: {  	v1 =	vmov s2;
	v5 =	vld [tilespmem:s16+$0xBAA0]  }
0x81: {  	v6 =	vld [tilespmem:s16+$0xBA80]  }
0x82: {  	v4 =	vld [tilespmem:s16+$0xBAF0]  }
0x83: {  	v7 =	vld [tilespmem:s16+$0xBAD0]  }
0x84: {  	v8 =	vld [tilespmem:s16+$0xBA90]  }
0x85: {  	v10 =	vld.idx.msk [tilespmem:v1+s12+$0x0], $0xffff  }
0x86: {  	s18 =	sadd.s32 $0x1, s2;
	v9 =	vld.idx.msk [tilespmem:v1+s13+$0x0], $0xffff  }
0x87: {  	s3 =	sor.u32 $0x1, s11;
	s17 =	simm.s32 $0x200;
	s19 =	simm.s32 $0x400;
	v11 =	vld [tilespmem:s16+$0xBAC0];
	v1 =	vmov s18  }
.LBB2_9:
0x88: {  	p2 =	sne.s32 s19, $0x6200;
	s21 =	smov.u32 s19;
	s19 =	sadd.s32 $0x200, s19  }
0x89: {  	_ = 	snop  }
0x8a: {  	v10 =	vand.u32 $0x1, v10  }
0x8b: {  	vm0 =	veq.s32 v10, $0x0;
	v9 =	vshll.u32 v9, $0x4  }
0x8c: {  	v7 =	vsel vm0, v8, v7;
	v8 =	vor.u32 v0, v9;
	v6 =	vsel vm0, v6, v11  }
0x8d: {  	v3 =	vsel vm0, v5, v3;
	v4 =	vsel vm0, v2, v4;
	[tilespmem:s16+$0x12A80] =	vst v6  }
0x8e: {  	s24 =	sshra.s32 s17, $0x2;
	s17 =	smov.u32 s21;
	[tilespmem:s16+$0x12AA0] =	vst v3  }
0x8f: {  	v3 =	vld [tilespmem:s24+$0xBAE0];
	[tilespmem:s16+$0x12A90] =	vst v7  }
0x90: {  	v2 =	vld [tilespmem:s24+$0xBAB0];
	[tilespmem:s16+$0x12AB0] =	vst v4  }
0x91: {  	v8 =	vld.idx.msk [tilespmem:v8+s14+$0x0], $0xffff  }
0x92: {  	v5 =	vld [tilespmem:s24+$0xBAA0]  }
0x93: {  	v6 =	vld [tilespmem:s24+$0xBA80]  }
0x94: {  	v4 =	vld [tilespmem:s24+$0xBAF0];
	_ =	sdelay $0x2  }
.Ltmp4:
0x95: {  	v7 =	vld [tilespmem:s24+$0xBAD0];
	[tilespmem:s16+$0x12AC0] =	vst v8;
	s16 =	smov.u32 s24;
	(pc) =	sbr.rel @p2 .LBB2_9-.Ltmp4, $4  }
0x96: {  	s18 =	sadd.s32 $0x1, s18;
	v10 =	vld.idx.msk [tilespmem:v1+s12+$0x0], $0xffff  }
0x97: {  	v9 =	vld.idx.msk [tilespmem:v1+s13+$0x0], $0xffff;
	v1 =	vmov s18  }
0x98: {  	v8 =	vld [tilespmem:s16+$0xBA90]  }
0x99: {  	v11 =	vld [tilespmem:s16+$0xBAC0]  }
0x9a: {  	_ = 	snop  }
0x9b: {  	v10 =	vand.u32 $0x1, v10  }
0x9c: {  	vm0 =	veq.s32 v10, $0x0;
	v9 =	vshll.u32 v9, $0x4  }
0x9d: {  	v3 =	vsel vm0, v5, v3;
	v56 =	vor.u32 v0, v9  }
0x9e: {  	v6 =	vsel vm0, v6, v11;
	[tilespmem:s16+$0x12AA0] =	vst v3  }
0x9f: {  	s17 =	sshra.s32 s17, $0x2;
	v3 =	vsel vm0, v8, v7;
	[tilespmem:s16+$0x12A80] =	vst v6  }
0xa0: {  	v2 =	vsel vm0, v2, v4;
	v6 =	vld [tilespmem:s17+$0xBAE0];
	[tilespmem:s16+$0x12A90] =	vst v3  }
0xa1: {  	v3 =	vld [tilespmem:s17+$0xBAB0];
	[tilespmem:s16+$0x12AB0] =	vst v2  }
0xa2: {  	v2 =	vld.idx.msk [tilespmem:v56+s14+$0x0], $0xffff;
	_ =	sdelay $0x1  }
0xa3: {  	v57 =	vld [tilespmem:s17+$0xBAA0]  }
0xa4: {  	v58 =	vld [tilespmem:s17+$0xBA80]  }
0xa5: {  	v59 =	vld [tilespmem:s17+$0xBAF0]  }
0xa6: {  	v60 =	vld [tilespmem:s17+$0xBAD0];
	[tilespmem:s16+$0x12AC0] =	vst v2  }
0xa7: {  	v2 =	vld.idx.msk [tilespmem:v1+s12+$0x0], $0xffff  }
0xa8: {  	v1 =	vld.idx.msk [tilespmem:v1+s13+$0x0], $0xffff  }
0xa9: {  	v61 =	vld [tilespmem:s17+$0xBAC0]  }
0xaa: {  	v62 =	vld [tilespmem:s17+$0xBA90];
	_ =	sdelay $0x1  }
0xab: {  	v2 =	vand.u32 $0x1, v2  }
0xac: {  	v1 =	vshll.u32 v1, $0x4;
	vm15 =	veq.s32 v2, $0x0  }
0xad: {  	v1 =	vor.u32 v0, v1;
	v2 =	vsel vm15, v58, v61  }
0xae: {  	v63 =	vsel vm15, v62, v60;
	[tilespmem:s17+$0x12A80] =	vst v2  }
0xaf: {  	v2 =	vsel vm15, v57, v6;
	[tilespmem:s17+$0x12A90] =	vst v63  }
0xb0: {  	[tilespmem:s17+$0x12AA0] =	vst v2;
	v2 =	vsel vm15, v3, v59  }
0xb1: {  	[tilespmem:s17+$0x12AB0] =	vst v2  }
0xb2: {  	v1 =	vld.idx.msk [tilespmem:v1+s14+$0x0], $0xffff;
	_ =	sdelay $0x1  }
.Ltmp5:
0xb3: {  	s3 =	sadd.s32 s9, s3;
	(pc) =	sbr.rel @p1 .LBB2_12-.Ltmp5, $3  }
0xb4: {  	s3 =	smul.u32 $0x380, s3;
	_ =	sdelay $0x1  }
0xb5: {  	s24 =	simm.s32 $0x12A80;
	s3 =	sadd.s32 s5, s3;
	[tilespmem:s17+$0x12AC0] =	vst v1  }
0xb6: {  	[hbm4b:s3+s4] =	stream.linear.scatter [tilespmem:s24], [sflag:$0x6], $0x1900, $0x38;
	[tilespmem:$0x17E80] =	vst v63  }
.Ltmp6:
0xb7: {  	(pc) =	sbr.rel .LBB2_13-.Ltmp6, $4  }
0xb8: {  	_ = 	snop  }
0xb9: {  	_ =	swait.ge [sflag:s25], $0x1900  }
0xba: {  	[sflag:s25] =	ssyncset.done $0x0  }
0xbb: {  	[sflag:s25] =	ssyncadd.s32 $0xFFFFE700  }
.LBB2_12:
0xbc: {  	s3 =	sshll.u32 s10, $0x8  }
0xbd: {  	s3 =	sand.u32 $0x3FFFFF00, s3  }
.Ltmp7:
0xbe: {  	s16 =	simm.s32 $0xBA80;
	s3 =	sadd.s32 $0x140, s3;
	(pc) =	sbr.rel @p0 .LBB2_14-.Ltmp7, $4  }
0xbf: {  	[tilespmem:s16], [sflag:$0x2] =	stream.indirect.gather [hbm4b:s1+s15], $0x80, s3, s15, $0xb8;
	[tilespmem:$0x17E80] =	vst v63  }
0xc0: {  	_ =	swait.ge [sflag:s25], $0x1900  }
0xc1: {  	[sflag:s25] =	ssyncset.done $0x0  }
0xc2: {  	[sflag:s25] =	ssyncadd.s32 $0xFFFFE700  }
.LBB2_13:
0xc3: {  	_ =	swait.ge [sflag:s26], $0x1900  }
0xc4: {  	[sflag:s26] =	ssyncset.done $0x0  }
0xc5: {  	[sflag:s26] =	ssyncadd.s32 $0xFFFFE700  }
.LBB2_14:
0xc6: {  	s16 =	simm.s32 $0x0  }
0xc7: {  	v3 =	vld [tilespmem:s16+$0xD6E0]  }
0xc8: {  	v2 =	vld [tilespmem:s16+$0xD6B0]  }
0xc9: {  	v1 =	vmov s6;
	v5 =	vld [tilespmem:s16+$0xD6A0]  }
0xca: {  	v6 =	vld [tilespmem:s16+$0xD680]  }
0xcb: {  	v4 =	vld [tilespmem:s16+$0xD6F0]  }
0xcc: {  	v7 =	vld [tilespmem:s16+$0xD6D0]  }
0xcd: {  	v8 =	vld [tilespmem:s16+$0xD690]  }
0xce: {  	v10 =	vld.idx.msk [tilespmem:v1+s12+$0x0], $0xffff  }
0xcf: {  	s17 =	sadd.s32 $0x1, s6;
	v9 =	vld.idx.msk [tilespmem:v1+s13+$0x0], $0xffff  }
0xd0: {  	s3 =	sor.u32 $0x2, s11;
	s11 =	simm.s32 $0x200;
	s18 =	simm.s32 $0x400;
	v11 =	vld [tilespmem:s16+$0xD6C0];
	v1 =	vmov s17  }
.LBB2_15:
0xd1: {  	p2 =	sne.s32 s18, $0x6200;
	s19 =	smov.u32 s18;
	s18 =	sadd.s32 $0x200, s18  }
0xd2: {  	_ = 	snop  }
0xd3: {  	v10 =	vand.u32 $0x1, v10  }
0xd4: {  	vm0 =	veq.s32 v10, $0x0;
	v9 =	vshll.u32 v9, $0x4  }
0xd5: {  	v7 =	vsel vm0, v8, v7;
	v8 =	vor.u32 v0, v9;
	v6 =	vsel vm0, v6, v11  }
0xd6: {  	v3 =	vsel vm0, v5, v3;
	v4 =	vsel vm0, v2, v4;
	[tilespmem:s16+$0x14680] =	vst v6  }
0xd7: {  	s21 =	sshra.s32 s11, $0x2;
	s11 =	smov.u32 s19;
	[tilespmem:s16+$0x146A0] =	vst v3  }
0xd8: {  	v3 =	vld [tilespmem:s21+$0xD6E0];
	[tilespmem:s16+$0x14690] =	vst v7  }
0xd9: {  	v2 =	vld [tilespmem:s21+$0xD6B0];
	[tilespmem:s16+$0x146B0] =	vst v4  }
0xda: {  	v8 =	vld.idx.msk [tilespmem:v8+s14+$0x0], $0xffff  }
0xdb: {  	v5 =	vld [tilespmem:s21+$0xD6A0]  }
0xdc: {  	v6 =	vld [tilespmem:s21+$0xD680]  }
0xdd: {  	v4 =	vld [tilespmem:s21+$0xD6F0];
	_ =	sdelay $0x2  }
.Ltmp8:
0xde: {  	v7 =	vld [tilespmem:s21+$0xD6D0];
	[tilespmem:s16+$0x146C0] =	vst v8;
	s16 =	smov.u32 s21;
	(pc) =	sbr.rel @p2 .LBB2_15-.Ltmp8, $4  }
0xdf: {  	s17 =	sadd.s32 $0x1, s17;
	v10 =	vld.idx.msk [tilespmem:v1+s12+$0x0], $0xffff  }
0xe0: {  	v9 =	vld.idx.msk [tilespmem:v1+s13+$0x0], $0xffff;
	v1 =	vmov s17  }
0xe1: {  	v8 =	vld [tilespmem:s16+$0xD690]  }
0xe2: {  	v11 =	vld [tilespmem:s16+$0xD6C0]  }
0xe3: {  	_ = 	snop  }
0xe4: {  	v10 =	vand.u32 $0x1, v10  }
0xe5: {  	vm0 =	veq.s32 v10, $0x0;
	v9 =	vshll.u32 v9, $0x4  }
0xe6: {  	v3 =	vsel vm0, v5, v3;
	v56 =	vor.u32 v0, v9  }
0xe7: {  	v6 =	vsel vm0, v6, v11;
	[tilespmem:s16+$0x146A0] =	vst v3  }
0xe8: {  	s11 =	sshra.s32 s11, $0x2;
	v3 =	vsel vm0, v8, v7;
	[tilespmem:s16+$0x14680] =	vst v6  }
0xe9: {  	v2 =	vsel vm0, v2, v4;
	v6 =	vld [tilespmem:s11+$0xD6E0];
	[tilespmem:s16+$0x14690] =	vst v3  }
0xea: {  	v3 =	vld [tilespmem:s11+$0xD6B0];
	[tilespmem:s16+$0x146B0] =	vst v2  }
0xeb: {  	v2 =	vld.idx.msk [tilespmem:v56+s14+$0x0], $0xffff;
	_ =	sdelay $0x1  }
0xec: {  	v57 =	vld [tilespmem:s11+$0xD6A0]  }
0xed: {  	v58 =	vld [tilespmem:s11+$0xD680]  }
0xee: {  	v59 =	vld [tilespmem:s11+$0xD6F0]  }
0xef: {  	v60 =	vld [tilespmem:s11+$0xD6D0];
	[tilespmem:s16+$0x146C0] =	vst v2  }
0xf0: {  	v2 =	vld.idx.msk [tilespmem:v1+s12+$0x0], $0xffff  }
0xf1: {  	v1 =	vld.idx.msk [tilespmem:v1+s13+$0x0], $0xffff  }
0xf2: {  	v61 =	vld [tilespmem:s11+$0xD6C0]  }
0xf3: {  	v62 =	vld [tilespmem:s11+$0xD690];
	_ =	sdelay $0x1  }
0xf4: {  	v2 =	vand.u32 $0x1, v2  }
0xf5: {  	v1 =	vshll.u32 v1, $0x4;
	vm15 =	veq.s32 v2, $0x0  }
0xf6: {  	v1 =	vor.u32 v0, v1;
	v2 =	vsel vm15, v58, v61  }
0xf7: {  	v63 =	vsel vm15, v62, v60;
	[tilespmem:s11+$0x14680] =	vst v2  }
0xf8: {  	v2 =	vsel vm15, v57, v6;
	[tilespmem:s11+$0x14690] =	vst v63  }
0xf9: {  	[tilespmem:s11+$0x146A0] =	vst v2;
	v2 =	vsel vm15, v3, v59  }
0xfa: {  	[tilespmem:s11+$0x146B0] =	vst v2  }
0xfb: {  	v1 =	vld.idx.msk [tilespmem:v1+s14+$0x0], $0xffff;
	_ =	sdelay $0x1  }
.Ltmp9:
0xfc: {  	s3 =	sadd.s32 s9, s3;
	(pc) =	sbr.rel @p1 .LBB2_18-.Ltmp9, $3  }
0xfd: {  	s3 =	smul.u32 $0x380, s3;
	_ =	sdelay $0x1  }
0xfe: {  	s3 =	sadd.s32 s5, s3;
	[tilespmem:s11+$0x146C0] =	vst v1  }
0xff: {  	[hbm4b:s3+s4] =	stream.linear.scatter [tilespmem:s28], [sflag:$0x7], $0x1900, $0x38;
	[tilespmem:$0x17E80] =	vst v63  }
.Ltmp10:
0x100: {  	(pc) =	sbr.rel .LBB2_19-.Ltmp10, $4  }
0x101: {  	_ = 	snop  }
0x102: {  	_ =	swait.ge [sflag:s29], $0x1900  }
0x103: {  	[sflag:s29] =	ssyncset.done $0x0  }
0x104: {  	[sflag:s29] =	ssyncadd.s32 $0xFFFFE700  }
.LBB2_18:
0x105: {  	s3 =	sshll.u32 s10, $0x8  }
0x106: {  	s3 =	sand.u32 $0x3FFFFF00, s3  }
.Ltmp11:
0x107: {  	s11 =	simm.s32 $0xD680;
	s3 =	sadd.s32 $0x180, s3;
	(pc) =	sbr.rel @p0 .LBB2_20-.Ltmp11, $4  }
0x108: {  	[tilespmem:s11], [sflag:$0x3] =	stream.indirect.gather [hbm4b:s1+s15], $0x80, s3, s15, $0xb8;
	[tilespmem:$0x17E80] =	vst v63  }
0x109: {  	_ =	swait.ge [sflag:s29], $0x1900  }
0x10a: {  	[sflag:s29] =	ssyncset.done $0x0  }
0x10b: {  	[sflag:s29] =	ssyncadd.s32 $0xFFFFE700  }
.LBB2_19:
0x10c: {  	_ =	swait.ge [sflag:s30], $0x1900  }
0x10d: {  	[sflag:s30] =	ssyncset.done $0x0  }
0x10e: {  	[sflag:s30] =	ssyncadd.s32 $0xFFFFE700  }
.LBB2_20:
0x10f: {  	s3 =	simm.s32 $0x0  }
0x110: {  	v3 =	vld [tilespmem:s3+$0xF2E0]  }
0x111: {  	v2 =	vld [tilespmem:s3+$0xF2B0]  }
0x112: {  	v1 =	vmov s7;
	v5 =	vld [tilespmem:s3+$0xF2A0]  }
0x113: {  	v6 =	vld [tilespmem:s3+$0xF280]  }
0x114: {  	v4 =	vld [tilespmem:s3+$0xF2F0]  }
0x115: {  	v7 =	vld [tilespmem:s3+$0xF2D0]  }
0x116: {  	v8 =	vld [tilespmem:s3+$0xF290]  }
0x117: {  	v10 =	vld.idx.msk [tilespmem:v1+s12+$0x0], $0xffff  }
0x118: {  	s16 =	sadd.s32 $0x1, s7;
	v9 =	vld.idx.msk [tilespmem:v1+s13+$0x0], $0xffff  }
0x119: {  	s11 =	simm.s32 $0x200;
	s17 =	simm.s32 $0x400;
	v11 =	vld [tilespmem:s3+$0xF2C0];
	v1 =	vmov s16  }
.LBB2_21:
0x11a: {  	p0 =	sne.s32 s17, $0x6200;
	s18 =	smov.u32 s17;
	s17 =	sadd.s32 $0x200, s17  }
0x11b: {  	_ = 	snop  }
0x11c: {  	v10 =	vand.u32 $0x1, v10  }
0x11d: {  	vm0 =	veq.s32 v10, $0x0;
	v9 =	vshll.u32 v9, $0x4  }
0x11e: {  	v7 =	vsel vm0, v8, v7;
	v8 =	vor.u32 v0, v9;
	v6 =	vsel vm0, v6, v11  }
0x11f: {  	v3 =	vsel vm0, v5, v3;
	v4 =	vsel vm0, v2, v4;
	[tilespmem:s3+$0x16280] =	vst v6  }
0x120: {  	s19 =	sshra.s32 s11, $0x2;
	s11 =	smov.u32 s18;
	[tilespmem:s3+$0x162A0] =	vst v3  }
0x121: {  	v3 =	vld [tilespmem:s19+$0xF2E0];
	[tilespmem:s3+$0x16290] =	vst v7  }
0x122: {  	v2 =	vld [tilespmem:s19+$0xF2B0];
	[tilespmem:s3+$0x162B0] =	vst v4  }
0x123: {  	v8 =	vld.idx.msk [tilespmem:v8+s14+$0x0], $0xffff  }
0x124: {  	v5 =	vld [tilespmem:s19+$0xF2A0]  }
0x125: {  	v6 =	vld [tilespmem:s19+$0xF280]  }
0x126: {  	v4 =	vld [tilespmem:s19+$0xF2F0];
	_ =	sdelay $0x2  }
.Ltmp12:
0x127: {  	v7 =	vld [tilespmem:s19+$0xF2D0];
	[tilespmem:s3+$0x162C0] =	vst v8;
	s3 =	smov.u32 s19;
	(pc) =	sbr.rel @p0 .LBB2_21-.Ltmp12, $4  }
0x128: {  	s16 =	sadd.s32 $0x1, s16;
	v10 =	vld.idx.msk [tilespmem:v1+s12+$0x0], $0xffff  }
0x129: {  	v9 =	vld.idx.msk [tilespmem:v1+s13+$0x0], $0xffff;
	v1 =	vmov s16  }
0x12a: {  	v8 =	vld [tilespmem:s3+$0xF290]  }
0x12b: {  	v11 =	vld [tilespmem:s3+$0xF2C0]  }
0x12c: {  	_ = 	snop  }
0x12d: {  	v10 =	vand.u32 $0x1, v10  }
0x12e: {  	vm0 =	veq.s32 v10, $0x0;
	v9 =	vshll.u32 v9, $0x4  }
0x12f: {  	v3 =	vsel vm0, v5, v3;
	v56 =	vor.u32 v0, v9  }
0x130: {  	v6 =	vsel vm0, v6, v11;
	[tilespmem:s3+$0x162A0] =	vst v3  }
0x131: {  	s11 =	sshra.s32 s11, $0x2;
	v3 =	vsel vm0, v8, v7;
	[tilespmem:s3+$0x16280] =	vst v6  }
0x132: {  	v2 =	vsel vm0, v2, v4;
	v6 =	vld [tilespmem:s11+$0xF2E0];
	[tilespmem:s3+$0x16290] =	vst v3  }
0x133: {  	v3 =	vld [tilespmem:s11+$0xF2B0];
	[tilespmem:s3+$0x162B0] =	vst v2  }
0x134: {  	v2 =	vld.idx.msk [tilespmem:v56+s14+$0x0], $0xffff;
	_ =	sdelay $0x1  }
0x135: {  	v57 =	vld [tilespmem:s11+$0xF2A0]  }
0x136: {  	v58 =	vld [tilespmem:s11+$0xF280]  }
0x137: {  	v59 =	vld [tilespmem:s11+$0xF2F0]  }
0x138: {  	v60 =	vld [tilespmem:s11+$0xF2D0];
	[tilespmem:s3+$0x162C0] =	vst v2  }
0x139: {  	v2 =	vld.idx.msk [tilespmem:v1+s12+$0x0], $0xffff  }
0x13a: {  	v1 =	vld.idx.msk [tilespmem:v1+s13+$0x0], $0xffff  }
0x13b: {  	v61 =	vld [tilespmem:s11+$0xF2C0]  }
0x13c: {  	v62 =	vld [tilespmem:s11+$0xF290];
	_ =	sdelay $0x1  }
0x13d: {  	v2 =	vand.u32 $0x1, v2  }
0x13e: {  	v1 =	vshll.u32 v1, $0x4;
	vm15 =	veq.s32 v2, $0x0  }
0x13f: {  	v1 =	vor.u32 v0, v1;
	v2 =	vsel vm15, v58, v61  }
0x140: {  	v63 =	vsel vm15, v62, v60;
	[tilespmem:s11+$0x16280] =	vst v2  }
0x141: {  	v2 =	vsel vm15, v57, v6;
	[tilespmem:s11+$0x16290] =	vst v63  }
0x142: {  	[tilespmem:s11+$0x162A0] =	vst v2;
	v2 =	vsel vm15, v3, v59  }
0x143: {  	[tilespmem:s11+$0x162B0] =	vst v2  }
0x144: {  	s10 =	sadd.s32 $0x1, s10;
	v1 =	vld.idx.msk [tilespmem:v1+s14+$0x0], $0xffff  }
0x145: {  	p0 =	sne.s32 s10, $0x20  }
.Ltmp13:
0x146: {  	s0 =	sadd.s32 s9, s0;
	(pc) =	sbr.rel @p0 .LBB2_2-.Ltmp13, $4  }
0x147: {  	s0 =	smul.u32 $0x380, s0  }
0x148: {  	s8 =	sadd.s32 $0x100, s8;
	s2 =	sadd.s32 $0x100, s2  }
0x149: {  	s6 =	sadd.s32 $0x100, s6;
	s7 =	sadd.s32 $0x100, s7;
	s0 =	sadd.s32 s5, s0;
	[tilespmem:s11+$0x162C0] =	vst v1  }
0x14a: {  	[hbm4b:s0+s4] =	stream.linear.scatter [tilespmem:s31], [sflag:$0x8], $0x1900, $0x38;
	[tilespmem:$0x17E80] =	vst v63  }
0x14b: {  	s0 =	simm.s32 $0x5  }
0x14c: {  	_ =	swait.ge [sflag:s0], $0x1900  }
0x14d: {  	[sflag:s0] =	ssyncset.done $0x0  }
0x14e: {  	[sflag:s0] =	ssyncadd.s32 $0xFFFFE700  }
0x14f: {  	_ =	swait.ge [sflag:s23], $0x1900  }
0x150: {  	[sflag:s23] =	ssyncset.done $0x0  }
0x151: {  	[sflag:s23] =	ssyncadd.s32 $0xFFFFE700  }
0x152: {  	_ =	swait.ge [sflag:s26], $0x1900  }
0x153: {  	[sflag:s26] =	ssyncset.done $0x0  }
0x154: {  	[sflag:s26] =	ssyncadd.s32 $0xFFFFE700  }
0x155: {  	_ =	swait.ge [sflag:s30], $0x1900  }
0x156: {  	s2 =	rddreg [dreg:$0xb]  }
0x157: {  	s24 =	rddreg [dreg:$0xa];
	s2 =	sadd.s32 $0x1, s2  }
0x158: {  	p0 =	sne.s32 s2, s24  }
.Ltmp14:
0x159: {  	_ = 	snop;
	(pc) =	sbr.rel @p0 .LBB2_1-.Ltmp14, $3  }
0x15a: {  	_ =	sdelay $0x1  }
0x15b: {  	[sflag:s30] =	ssyncset.done $0x0  }
0x15c: {  	[sflag:s30] =	ssyncadd.s32 $0xFFFFE700  }
0x15d: {  	_ =	sfence.sel $0x180000  }
0x15e: {  	[bflag:$0x0] =	sbarrier.arrive $0xFFFF  }
0x15f: {  	_ =	strace $0x90000047  }
0x160: {  	s0 =	stileid.u32;
	[bflag:$0x2] =	sbarrier.arrive $0xFFFF  }
0x161: {  	p0 =	sne.s32 s0, $0x0;
	s0 =	rddreg [dreg:$0x6]  }
0x162: {  	s0 =	sadd.s32 @!p0 $0x100000, s0  }
0x163: {  	[sflag:s0] =	ssyncadd.tile.s32 @!p0 $0x1;
	_ =	shalt  }
.Lfunc_end2:
_tile_overlayer_lowered:
.L_overlay_start_2:
0x164: {  	(tag) =	ssettag $0x2  }
0x165: {  	s0 =	rddreg [dreg:$0x0];
	s2 =	stileid.u32  }
0x166: {  	s1 =	rddreg [dreg:$0x1];
	p0 =	sne.s32 s2, $0x0  }
0x167: {  	s3 =	rddreg [dreg:$0x2];
	[bflag:$0x3] =	sbarrier.arrive $0xFFFF;
	s2 =	simm.s32 @!p0 $0x1C09  }
0x168: {  	[timem:s3], [sflag:s2] =	dma.local @!p0 [hbm:s0], s1  }
0x169: {  	s0 =	simm.s32 @!p0 $0x9  }
0x16a: {  	_ =	swait.ge @!p0 [sflag:s0], s1  }
0x16b: {  	s1 =	ssub.s32 @!p0 $0x0, s1;
	[sflag:s0] =	ssyncset.done @!p0 $0x0  }
0x16c: {  	[sflag:s0] =	ssyncadd.s32 @!p0 s1  }
0x16d: {  	[bflag:$0x3] =	sbarrier.arrive $0xFFFF  }
0x16e: {  	_ =	shalt  }

</sc_bundles>
